<compile_context>
chip_gen: v7x
topology: tpu7x:2x2x1
jax: 0.10.2.dev20260603
libtpu: 0.0.44.dev20260713+nightly
codegen_flags: <defaults>
</compile_context>

<pallas_src>
import functools

import jax
import jax.numpy as jnp
from jax import lax
from jax.experimental import pallas as pl
from jax.experimental.pallas import tpu as pltpu
from jax.experimental.pallas import tpu_sc as plsc

_N = 10000
_E = 320000
_D_IN = 128
_HID = 64
_DIM = 32
_NOISE_STD = 0.1
_EPS = 1e-6

_G = 125
_GROUPS = _E // _G
_NC = 2
_NS = 16
_NTILES = _NC * _NS
_GP_TILE = _GROUPS // _NTILES
_RPS = _N // _NS
_CNTW = 8

_ROWBLK = 400
_NBUF = 4


def _sc_mesh():
    return plsc.VectorSubcoreMesh(core_axis_name="c", subcore_axis_name="s")


def _make_count():

    @functools.partial(
        pl.kernel,
        out_type=jax.ShapeDtypeStruct((_NC, _N, _CNTW), jnp.float32),
        mesh=_sc_mesh(),
        compiler_params=pltpu.CompilerParams(use_tc_tiling_on_sc=False),
        scratch_types=[
            pltpu.VMEM((_GP_TILE, _G), jnp.int32),
            pltpu.VMEM((_G, _CNTW), jnp.float32),
            pltpu.VMEM_SHARED((_N, _CNTW), jnp.float32),
        ],
    )
    def count_kernel(dst_hbm, ones_hbm, zeros_hbm, out_hbm, dst_v, ones_v, acc):
        c = lax.axis_index("c")
        s = lax.axis_index("s")
        wid = c * _NS + s
        pltpu.sync_copy(zeros_hbm.at[pl.ds(s * _RPS, _RPS)],
                        acc.at[pl.ds(s * _RPS, _RPS)])
        pltpu.sync_copy(dst_hbm.at[pl.ds(wid * _GP_TILE, _GP_TILE)], dst_v)
        pltpu.sync_copy(ones_hbm, ones_v)
        plsc.subcore_barrier()

        def body(j, carry):
            pltpu.sync_copy(ones_v, acc.at[dst_v.at[j]], add=True)
            return carry

        lax.fori_loop(0, _GP_TILE, body, 0)
        plsc.subcore_barrier()
        pltpu.sync_copy(acc.at[pl.ds(s * _RPS, _RPS)],
                        out_hbm.at[c, pl.ds(s * _RPS, _RPS)])

    return count_kernel


def _make_scatter(feat):

    @functools.partial(
        pl.kernel,
        out_type=jax.ShapeDtypeStruct((_NC, _N, feat), jnp.float32),
        mesh=_sc_mesh(),
        compiler_params=pltpu.CompilerParams(use_tc_tiling_on_sc=False),
        scratch_types=[
            pltpu.VMEM((_GP_TILE, _G), jnp.int32),
            pltpu.VMEM((_GP_TILE, _G), jnp.int32),
        ] + [pltpu.VMEM((_G, feat), jnp.float32)] * _NBUF
          + [pltpu.VMEM_SHARED((_N, feat), jnp.float32)]
          + [pltpu.SemaphoreType.DMA] * _NBUF,
    )
    def scatter_kernel(src_hbm, dst_hbm, h_hbm, zeros_hbm, out_hbm,
                       src_v, dst_v, *rest):
        bufs = rest[:_NBUF]
        acc = rest[_NBUF]
        sems = rest[_NBUF + 1:]
        c = lax.axis_index("c")
        s = lax.axis_index("s")
        wid = c * _NS + s
        pltpu.sync_copy(zeros_hbm.at[pl.ds(s * _RPS, _RPS)],
                        acc.at[pl.ds(s * _RPS, _RPS)])
        pltpu.sync_copy(src_hbm.at[pl.ds(wid * _GP_TILE, _GP_TILE)], src_v)
        pltpu.sync_copy(dst_hbm.at[pl.ds(wid * _GP_TILE, _GP_TILE)], dst_v)
        plsc.subcore_barrier()

        ring = tuple(zip(bufs, sems))
        nbuf = len(ring)
        for b, (rows, sem) in enumerate(ring):
            pltpu.async_copy(h_hbm.at[src_v.at[b]], rows, sem)

        def body(i, carry):
            for b, (rows, sem) in enumerate(ring):
                j = i * nbuf + b
                pltpu.make_async_copy(h_hbm.at[pl.ds(0, _G)], rows, sem).wait()
                pltpu.sync_copy(rows, acc.at[dst_v.at[j]], add=True)

                @pl.when(j + nbuf < _GP_TILE)
                def _():
                    pltpu.async_copy(h_hbm.at[src_v.at[j + nbuf]], rows, sem)

            return carry

        lax.fori_loop(0, _GP_TILE // nbuf, body, 0)
        plsc.subcore_barrier()
        pltpu.sync_copy(acc.at[pl.ds(s * _RPS, _RPS)],
                        out_hbm.at[c, pl.ds(s * _RPS, _RPS)])

    return scatter_kernel


_count_call = _make_count()
_scatter64_call = _make_scatter(_HID)
_scatter32_call = _make_scatter(_DIM)


def _enc1_kernel(x_ref, w0_ref, cnt_ref, h1p_ref, dinv_ref):
    cnt = (jnp.sum(cnt_ref[0], axis=1, keepdims=True)
           + jnp.sum(cnt_ref[1], axis=1, keepdims=True)) * (1.0 / _CNTW)
    dinv = lax.rsqrt(cnt + 1.0)
    xw = jnp.dot(x_ref[...], w0_ref[...],
                 preferred_element_type=jnp.float32)
    h1p_ref[...] = xw * dinv
    dinv_ref[...] = dinv


def _enc2_kernel(p_ref, h1p_ref, dinv_ref, noise_ref, w1_ref, h2p_ref):
    t = (p_ref[0] + p_ref[1] + h1p_ref[...]) * dinv_ref[...]
    hidden = jnp.maximum(t, 0.0) + noise_ref[...]
    h2 = jnp.dot(hidden, w1_ref[...],
                 preferred_element_type=jnp.float32)
    h2p_ref[...] = h2 * dinv_ref[...]


def _dec_prep_kernel(q_ref, h2p_ref, dinv_ref, pr_ref, coords_ref, sq_ref, mass_ref):
    z = (q_ref[0] + q_ref[1] + h2p_ref[...]) * dinv_ref[...]
    mass_ref[...] = z[:, _DIM - 1:_DIM] + pr_ref[...]
    lane = lax.broadcasted_iota(jnp.int32, (_N, _DIM), 1)
    coords = jnp.where(lane < _DIM - 1, z, 0.0)
    nrm = jnp.sqrt(jnp.sum(coords * coords, axis=1, keepdims=True))
    cn = coords / (nrm + _EPS)
    coords_ref[...] = cn
    sq_ref[...] = jnp.sum(cn * cn, axis=1, keepdims=True)


def _dec_kernel(a_ref, call_ref, sqr_ref, sqc_ref, mass_ref, out_ref):
    dot = lax.dot_general(a_ref[...], call_ref[...],
                          (((1,), (1,)), ((), ())),
                          preferred_element_type=jnp.float32)
    d2 = jnp.maximum(sqr_ref[...] + sqc_ref[...] - 2.0 * dot, 0.0)
    out_ref[...] = mass_ref[...] - jnp.log(d2 + _EPS)


def kernel(x, edge_index, pagerank, W0, W1):
    src = edge_index[0].astype(jnp.int32).reshape(_GROUPS, _G)
    dst = edge_index[1].astype(jnp.int32).reshape(_GROUPS, _G)
    ones_rows = jnp.ones((_G, _CNTW), jnp.float32)
    zeros_cnt = jnp.zeros((_N, _CNTW), jnp.float32)
    zeros64 = jnp.zeros((_N, _HID), jnp.float32)
    zeros32 = jnp.zeros((_N, _DIM), jnp.float32)
    noise = _NOISE_STD * jax.random.normal(jax.random.key(42), (_N, _HID),
                                           dtype=jnp.float32)

    cnt = _count_call(dst, ones_rows, zeros_cnt)

    h1p, dinv = pl.pallas_call(
        _enc1_kernel,
        out_shape=[
            jax.ShapeDtypeStruct((_N, _HID), jnp.float32),
            jax.ShapeDtypeStruct((_N, 1), jnp.float32),
        ],
    )(x, W0, cnt)

    p = _scatter64_call(src, dst, h1p, zeros64)

    h2p = pl.pallas_call(
        _enc2_kernel,
        out_shape=jax.ShapeDtypeStruct((_N, _DIM), jnp.float32),
    )(p, h1p, dinv, noise, W1)

    q = _scatter32_call(src, dst, h2p, zeros32)

    coords, sq, mass = pl.pallas_call(
        _dec_prep_kernel,
        out_shape=[
            jax.ShapeDtypeStruct((_N, _DIM), jnp.float32),
            jax.ShapeDtypeStruct((_N, 1), jnp.float32),
            jax.ShapeDtypeStruct((_N, 1), jnp.float32),
        ],
    )(q, h2p, dinv, pagerank.reshape(_N, 1))

    sq_row = sq.reshape(1, _N)
    mass_row = mass.reshape(1, _N)

    logits = pl.pallas_call(
        _dec_kernel,
        grid=(_N // _ROWBLK,),
        in_specs=[
            pl.BlockSpec((_ROWBLK, _DIM), lambda i: (i, 0)),
            pl.BlockSpec((_N, _DIM), lambda i: (0, 0)),
            pl.BlockSpec((_ROWBLK, 1), lambda i: (i, 0)),
            pl.BlockSpec((1, _N), lambda i: (0, 0)),
            pl.BlockSpec((1, _N), lambda i: (0, 0)),
        ],
        out_specs=pl.BlockSpec((_ROWBLK, _N), lambda i: (i, 0)),
        out_shape=jax.ShapeDtypeStruct((_N, _N), jnp.float32),
    )(coords, coords, sq, sq_row, mass_row)
    return logits

# --- scband reference (transcript-rebuilt; emitter-appended) ---
"""Pipeline reference for scband-gravity-gaemodel-ae-17093969838124 (READ-ONLY COPY).

The authoritative reference and input builder live on the scoring server;
editing this copy changes nothing except your own understanding.
"""

import jax, jax.numpy as jnp
import numpy as np

N = 10000
E = 320000
D_IN = 128
HID = 64
DIM = 32
NOISE_STD = 0.1
EPS = 1e-6


def setup_inputs(seed: int = 0) -> dict:
    key = jax.random.key(seed)
    k1, k2, k3, k4, k5 = jax.random.split(key, 5)
    x = jax.random.normal(k1, (N, D_IN), dtype=jnp.float32)
    edge_index = jax.random.randint(k2, (2, E), 0, N)
    pagerank = jax.random.uniform(k3, (N,), dtype=jnp.float32)
    pagerank = pagerank / jnp.sum(pagerank)  # normalized pagerank vector
    W0 = jax.random.normal(k4, (D_IN, HID), dtype=jnp.float32) * (1.0 / np.sqrt(D_IN))
    W1 = jax.random.normal(k5, (HID, DIM), dtype=jnp.float32) * (1.0 / np.sqrt(HID))
    return {"x": x, "edge_index": edge_index, "pagerank": pagerank, "W0": W0, "W1": W1}


def _gcn_norm(edge_index, n):
    src = edge_index[0]
    dst = edge_index[1]
    loop = jnp.arange(n, dtype=src.dtype)
    src = jnp.concatenate([src, loop])
    dst = jnp.concatenate([dst, loop])
    ones = jnp.ones(src.shape[0], dtype=jnp.float32)
    deg = jax.ops.segment_sum(ones, dst, num_segments=n)
    w = 1.0 / jnp.sqrt(deg[src] * deg[dst])
    return src, dst, w


def _propagate(h, src, dst, w, n):
    # sparse A_hat @ h via gather + scatter-add (SparseCore friendly)
    msg = h[src] * w[:, None]
    return jax.ops.segment_sum(msg, dst, num_segments=n)


def reference(x, edge_index, pagerank, W0, W1):
    n = x.shape[0]
    src, dst, w = _gcn_norm(edge_index, n)
    # Layer 1: GraphConvolutionSparse with relu (dropout=0 at inference)
    hidden = jax.nn.relu(_propagate(x @ W0, src, dst, w, n))
    # gaussian_noise_layer(std=0.1)
    noise = NOISE_STD * jax.random.normal(jax.random.key(42), hidden.shape, dtype=jnp.float32)
    hidden = hidden + noise
    # Layer 2: GraphConvolution, identity activation -> z_mean
    z = _propagate(hidden @ W1, src, dst, w, n)
    # GravityDecoder: last latent coordinate is mass, augmented by normalized pagerank
    mass = z[:, -1] + pagerank
    coords = z[:, :-1]
    # FLAGS.normalize=True: unit-norm positions before distance computation
    coords = coords / (jnp.linalg.norm(coords, axis=1, keepdims=True) + EPS)
    sq = jnp.sum(coords * coords, axis=1)
    d2 = sq[:, None] + sq[None, :] - 2.0 * (coords @ coords.T)
    d2 = jnp.maximum(d2, 0.0)
    # act = identity -> raw logits: m_j - log(||z_i - z_j||^2)
    logits = mass[None, :] - jnp.log(d2 + EPS)
    return logits

if __name__ == "__main__":
    import jax
    _d = setup_inputs()
    print(jax.jit(kernel)(*tuple(_d.values())))

</pallas_src>

<mosaic_0001>
#map = affine_map<(d0, d1) -> (0, 0)>
#map1 = affine_map<(d0, d1) -> (0, 0, 0)>
module attributes {stable_mosaic.version = 14 : i64} {
  func.func @scatter_kernel(%arg0: i32, %arg1: i32, %arg2: memref<2560x125xi32, #tpu.memory_space<hbm>>, %arg3: memref<2560x125xi32, #tpu.memory_space<hbm>>, %arg4: memref<10000x32xf32, #tpu.memory_space<hbm>>, %arg5: memref<10000x32xf32, #tpu.memory_space<hbm>>, %arg6: memref<2x10000x32xf32, #tpu.memory_space<hbm>>, %arg7: memref<80x125xi32, #tpu.memory_space<vmem>>, %arg8: memref<80x125xi32, #tpu.memory_space<vmem>>, %arg9: memref<125x32xf32, #tpu.memory_space<vmem>>, %arg10: memref<125x32xf32, #tpu.memory_space<vmem>>, %arg11: memref<125x32xf32, #tpu.memory_space<vmem>>, %arg12: memref<125x32xf32, #tpu.memory_space<vmem>>, %arg13: memref<10000x32xf32, #tpu.memory_space<vmem_shared>>, %arg14: memref<!tpu.dma_semaphore, #tpu.memory_space<semaphore_mem>>, %arg15: memref<!tpu.dma_semaphore, #tpu.memory_space<semaphore_mem>>, %arg16: memref<!tpu.dma_semaphore, #tpu.memory_space<semaphore_mem>>, %arg17: memref<!tpu.dma_semaphore, #tpu.memory_space<semaphore_mem>>) attributes {dimension_semantics = [#tpu.dimension_semantics<core_parallel>, #tpu.dimension_semantics<subcore_parallel>], iteration_bounds = array<i64: 2, 16>, scalar_prefetch = 0 : i64, scratch_operands = 11 : i64, tpu.core_type = #tpu.core_type<sc_vector_subcore>, window_params = [{transform_indices = #map}, {transform_indices = #map}, {transform_indices = #map}, {transform_indices = #map}, {transform_indices = #map1}]} {
    %mul3A = arith.constant 16 : i32
    %mul3A_0 = arith.muli %arg0, %mul3A : i32
    %add3A = arith.addi %mul3A_0, %arg1 : i32
    %mul3A_1 = arith.constant 625 : i32
    %mul3A_2 = arith.muli %arg1, %mul3A_1 : i32
    %mul3A_3 = arith.constant 625 : i32
    %mul3A_4 = arith.muli %arg1, %mul3A_3 : i32
    "tpu.region"() ({
      %run_scoped3A = tpu.sem_alloc : memref<!tpu.dma_semaphore, #tpu.memory_space<semaphore_mem>>
      %dma_start3A_46 = arith.constant 0 : i32
      %dma_start3A_47 = tpu.memref_slice %arg13[%mul3A_4, %dma_start3A_46] : memref<10000x32xf32, #tpu.memory_space<vmem_shared>> -> memref<625x32xf32, #tpu.memory_space<vmem_shared>>
      %dma_start3A_48 = arith.constant 0 : i32
      %dma_start3A_49 = tpu.memref_slice %arg5[%mul3A_2, %dma_start3A_48] : memref<10000x32xf32, #tpu.memory_space<hbm>> -> memref<625x32xf32, #tpu.memory_space<hbm>>
      tpu.enqueue_dma source(%dma_start3A_49 : memref<625x32xf32, #tpu.memory_space<hbm>>) target(%dma_start3A_47 : memref<625x32xf32, #tpu.memory_space<vmem_shared>>) target_semaphore(%run_scoped3A : memref<!tpu.dma_semaphore, #tpu.memory_space<semaphore_mem>>)
      %dma_wait3A = arith.constant 0 : i32
      %dma_wait3A_50 = tpu.memref_slice %arg13[%mul3A_4, %dma_wait3A] : memref<10000x32xf32, #tpu.memory_space<vmem_shared>> -> memref<625x32xf32, #tpu.memory_space<vmem_shared>>
      %dma_wait3A_51 = arith.constant 0 : i32
      %dma_wait3A_52 = tpu.memref_slice %arg5[%mul3A_2, %dma_wait3A_51] : memref<10000x32xf32, #tpu.memory_space<hbm>> -> memref<625x32xf32, #tpu.memory_space<hbm>>
      tpu.wait_dma2 semaphore(%run_scoped3A : memref<!tpu.dma_semaphore, #tpu.memory_space<semaphore_mem>>) src(%dma_wait3A_52 : memref<625x32xf32, #tpu.memory_space<hbm>>) dst(%dma_wait3A_50 : memref<625x32xf32, #tpu.memory_space<vmem_shared>>)
      tpu.yield
    }) : () -> ()
    %mul3A_5 = arith.constant 80 : i32
    %mul3A_6 = arith.muli %add3A, %mul3A_5 : i32
    "tpu.region"() ({
      %run_scoped3A = tpu.sem_alloc : memref<!tpu.dma_semaphore, #tpu.memory_space<semaphore_mem>>
      %dma_start3A_46 = arith.constant 0 : i32
      %dma_start3A_47 = tpu.memref_slice %arg2[%mul3A_6, %dma_start3A_46] : memref<2560x125xi32, #tpu.memory_space<hbm>> -> memref<80x125xi32, #tpu.memory_space<hbm>>
      %dma_start3A_48 = arith.constant 0 : i32
      %dma_start3A_49 = tpu.memref_slice %arg2[%mul3A_6, %dma_start3A_48] : memref<2560x125xi32, #tpu.memory_space<hbm>> -> memref<80x125xi32, #tpu.memory_space<hbm>>
      tpu.enqueue_dma source(%dma_start3A_49 : memref<80x125xi32, #tpu.memory_space<hbm>>) target(%arg7 : memref<80x125xi32, #tpu.memory_space<vmem>>) target_semaphore(%run_scoped3A : memref<!tpu.dma_semaphore, #tpu.memory_space<semaphore_mem>>)
      %dma_wait3A = arith.constant 0 : i32
      %dma_wait3A_50 = tpu.memref_slice %arg2[%mul3A_6, %dma_wait3A] : memref<2560x125xi32, #tpu.memory_space<hbm>> -> memref<80x125xi32, #tpu.memory_space<hbm>>
      %dma_wait3A_51 = arith.constant 0 : i32
      %dma_wait3A_52 = tpu.memref_slice %arg2[%mul3A_6, %dma_wait3A_51] : memref<2560x125xi32, #tpu.memory_space<hbm>> -> memref<80x125xi32, #tpu.memory_space<hbm>>
      tpu.wait_dma2 semaphore(%run_scoped3A : memref<!tpu.dma_semaphore, #tpu.memory_space<semaphore_mem>>) src(%dma_wait3A_52 : memref<80x125xi32, #tpu.memory_space<hbm>>) dst(%arg7 : memref<80x125xi32, #tpu.memory_space<vmem>>)
      tpu.yield
    }) : () -> ()
    %mul3A_7 = arith.constant 80 : i32
    %mul3A_8 = arith.muli %add3A, %mul3A_7 : i32
    "tpu.region"() ({
      %run_scoped3A = tpu.sem_alloc : memref<!tpu.dma_semaphore, #tpu.memory_space<semaphore_mem>>
      %dma_start3A_46 = arith.constant 0 : i32
      %dma_start3A_47 = tpu.memref_slice %arg3[%mul3A_8, %dma_start3A_46] : memref<2560x125xi32, #tpu.memory_space<hbm>> -> memref<80x125xi32, #tpu.memory_space<hbm>>
      %dma_start3A_48 = arith.constant 0 : i32
      %dma_start3A_49 = tpu.memref_slice %arg3[%mul3A_8, %dma_start3A_48] : memref<2560x125xi32, #tpu.memory_space<hbm>> -> memref<80x125xi32, #tpu.memory_space<hbm>>
      tpu.enqueue_dma source(%dma_start3A_49 : memref<80x125xi32, #tpu.memory_space<hbm>>) target(%arg8 : memref<80x125xi32, #tpu.memory_space<vmem>>) target_semaphore(%run_scoped3A : memref<!tpu.dma_semaphore, #tpu.memory_space<semaphore_mem>>)
      %dma_wait3A = arith.constant 0 : i32
      %dma_wait3A_50 = tpu.memref_slice %arg3[%mul3A_8, %dma_wait3A] : memref<2560x125xi32, #tpu.memory_space<hbm>> -> memref<80x125xi32, #tpu.memory_space<hbm>>
      %dma_wait3A_51 = arith.constant 0 : i32
      %dma_wait3A_52 = tpu.memref_slice %arg3[%mul3A_8, %dma_wait3A_51] : memref<2560x125xi32, #tpu.memory_space<hbm>> -> memref<80x125xi32, #tpu.memory_space<hbm>>
      tpu.wait_dma2 semaphore(%run_scoped3A : memref<!tpu.dma_semaphore, #tpu.memory_space<semaphore_mem>>) src(%dma_wait3A_52 : memref<80x125xi32, #tpu.memory_space<hbm>>) dst(%arg8 : memref<80x125xi32, #tpu.memory_space<vmem>>)
      tpu.yield
    }) : () -> ()
    %barrier3A = arith.constant 0 : index
    tpu.barrier barrier_id(%barrier3A)
    %dma_start3A = arith.constant 0 : i32
    %dma_start3A_9 = arith.constant 0 : i32
    %dma_start3A_10 = tpu.memref_slice %arg7[%dma_start3A, %dma_start3A_9] : memref<80x125xi32, #tpu.memory_space<vmem>> -> memref<1x125xi32, #tpu.memory_space<vmem>>
    %dma_start3A_11 = tpu.memref_squeeze %dma_start3A_10 : memref<1x125xi32, #tpu.memory_space<vmem>> -> memref<125xi32, #tpu.memory_space<vmem>>
    %dma_start3A_12 = arith.constant 0 : i32
    %dma_start3A_13 = arith.constant 0 : i32
    %dma_start3A_14 = tpu.memref_slice %arg4[%dma_start3A_12, %dma_start3A_13] : memref<10000x32xf32, #tpu.memory_space<hbm>> -> memref<10000x32xf32, #tpu.memory_space<hbm>>
    tpu.enqueue_indirect_dma source(%dma_start3A_14 : memref<10000x32xf32, #tpu.memory_space<hbm>>) target(%arg9 : memref<125x32xf32, #tpu.memory_space<vmem>>) offsets(%dma_start3A_11 : memref<125xi32, #tpu.memory_space<vmem>>) semaphore(%arg14 : memref<!tpu.dma_semaphore, #tpu.memory_space<semaphore_mem>>)
    %dma_start3A_15 = arith.constant 1 : i32
    %dma_start3A_16 = arith.constant 0 : i32
    %dma_start3A_17 = tpu.memref_slice %arg7[%dma_start3A_15, %dma_start3A_16] : memref<80x125xi32, #tpu.memory_space<vmem>> -> memref<1x125xi32, #tpu.memory_space<vmem>>
    %dma_start3A_18 = tpu.memref_squeeze %dma_start3A_17 : memref<1x125xi32, #tpu.memory_space<vmem>> -> memref<125xi32, #tpu.memory_space<vmem>>
    %dma_start3A_19 = arith.constant 0 : i32
    %dma_start3A_20 = arith.constant 0 : i32
    %dma_start3A_21 = tpu.memref_slice %arg4[%dma_start3A_19, %dma_start3A_20] : memref<10000x32xf32, #tpu.memory_space<hbm>> -> memref<10000x32xf32, #tpu.memory_space<hbm>>
    tpu.enqueue_indirect_dma source(%dma_start3A_21 : memref<10000x32xf32, #tpu.memory_space<hbm>>) target(%arg10 : memref<125x32xf32, #tpu.memory_space<vmem>>) offsets(%dma_start3A_18 : memref<125xi32, #tpu.memory_space<vmem>>) semaphore(%arg15 : memref<!tpu.dma_semaphore, #tpu.memory_space<semaphore_mem>>)
    %dma_start3A_22 = arith.constant 2 : i32
    %dma_start3A_23 = arith.constant 0 : i32
    %dma_start3A_24 = tpu.memref_slice %arg7[%dma_start3A_22, %dma_start3A_23] : memref<80x125xi32, #tpu.memory_space<vmem>> -> memref<1x125xi32, #tpu.memory_space<vmem>>
    %dma_start3A_25 = tpu.memref_squeeze %dma_start3A_24 : memref<1x125xi32, #tpu.memory_space<vmem>> -> memref<125xi32, #tpu.memory_space<vmem>>
    %dma_start3A_26 = arith.constant 0 : i32
    %dma_start3A_27 = arith.constant 0 : i32
    %dma_start3A_28 = tpu.memref_slice %arg4[%dma_start3A_26, %dma_start3A_27] : memref<10000x32xf32, #tpu.memory_space<hbm>> -> memref<10000x32xf32, #tpu.memory_space<hbm>>
    tpu.enqueue_indirect_dma source(%dma_start3A_28 : memref<10000x32xf32, #tpu.memory_space<hbm>>) target(%arg11 : memref<125x32xf32, #tpu.memory_space<vmem>>) offsets(%dma_start3A_25 : memref<125xi32, #tpu.memory_space<vmem>>) semaphore(%arg16 : memref<!tpu.dma_semaphore, #tpu.memory_space<semaphore_mem>>)
    %dma_start3A_29 = arith.constant 3 : i32
    %dma_start3A_30 = arith.constant 0 : i32
    %dma_start3A_31 = tpu.memref_slice %arg7[%dma_start3A_29, %dma_start3A_30] : memref<80x125xi32, #tpu.memory_space<vmem>> -> memref<1x125xi32, #tpu.memory_space<vmem>>
    %dma_start3A_32 = tpu.memref_squeeze %dma_start3A_31 : memref<1x125xi32, #tpu.memory_space<vmem>> -> memref<125xi32, #tpu.memory_space<vmem>>
    %dma_start3A_33 = arith.constant 0 : i32
    %dma_start3A_34 = arith.constant 0 : i32
    %dma_start3A_35 = tpu.memref_slice %arg4[%dma_start3A_33, %dma_start3A_34] : memref<10000x32xf32, #tpu.memory_space<hbm>> -> memref<10000x32xf32, #tpu.memory_space<hbm>>
    tpu.enqueue_indirect_dma source(%dma_start3A_35 : memref<10000x32xf32, #tpu.memory_space<hbm>>) target(%arg12 : memref<125x32xf32, #tpu.memory_space<vmem>>) offsets(%dma_start3A_32 : memref<125xi32, #tpu.memory_space<vmem>>) semaphore(%arg17 : memref<!tpu.dma_semaphore, #tpu.memory_space<semaphore_mem>>)
    %scan3A = arith.constant 0 : i32
    %scan3A_36 = arith.constant 0 : i32
    %scan3A_37 = arith.constant 20 : i32
    %scan3A_38 = arith.addi %scan3A_36, %scan3A_37 : i32
    %scan3A_39 = arith.constant 1 : i32
    scf.for %scan3A_46 = %scan3A_36 to %scan3A_38 step %scan3A_39  : i32 {
      %mul3A_47 = arith.constant 4 : i32
      %mul3A_48 = arith.muli %scan3A_46, %mul3A_47 : i32
      %add3A_49 = arith.constant 0 : i32
      %add3A_50 = arith.addi %mul3A_48, %add3A_49 : i32
      %dma_wait3A = arith.constant 0 : i32
      %dma_wait3A_51 = arith.constant 0 : i32
      %dma_wait3A_52 = tpu.memref_slice %arg4[%dma_wait3A, %dma_wait3A_51] : memref<10000x32xf32, #tpu.memory_space<hbm>> -> memref<125x32xf32, #tpu.memory_space<hbm>>
      %dma_wait3A_53 = arith.constant 0 : i32
      %dma_wait3A_54 = arith.constant 0 : i32
      %dma_wait3A_55 = tpu.memref_slice %arg4[%dma_wait3A_53, %dma_wait3A_54] : memref<10000x32xf32, #tpu.memory_space<hbm>> -> memref<125x32xf32, #tpu.memory_space<hbm>>
      tpu.wait_dma2 semaphore(%arg14 : memref<!tpu.dma_semaphore, #tpu.memory_space<semaphore_mem>>) src(%dma_wait3A_55 : memref<125x32xf32, #tpu.memory_space<hbm>>) dst(%arg9 : memref<125x32xf32, #tpu.memory_space<vmem>>)
      "tpu.region"() ({
        %run_scoped3A = tpu.sem_alloc : memref<!tpu.dma_semaphore, #tpu.memory_space<semaphore_mem>>
        %dma_start3A_111 = arith.constant 0 : i32
        %dma_start3A_112 = tpu.memref_slice %arg8[%add3A_50, %dma_start3A_111] : memref<80x125xi32, #tpu.memory_space<vmem>> -> memref<1x125xi32, #tpu.memory_space<vmem>>
        %dma_start3A_113 = tpu.memref_squeeze %dma_start3A_112 : memref<1x125xi32, #tpu.memory_space<vmem>> -> memref<125xi32, #tpu.memory_space<vmem>>
        %dma_start3A_114 = arith.constant 0 : i32
        %dma_start3A_115 = arith.constant 0 : i32
        %dma_start3A_116 = tpu.memref_slice %arg13[%dma_start3A_114, %dma_start3A_115] : memref<10000x32xf32, #tpu.memory_space<vmem_shared>> -> memref<10000x32xf32, #tpu.memory_space<vmem_shared>>
        tpu.enqueue_indirect_dma source(%arg9 : memref<125x32xf32, #tpu.memory_space<vmem>>) target(%dma_start3A_116 : memref<10000x32xf32, #tpu.memory_space<vmem_shared>>) offsets(%dma_start3A_113 : memref<125xi32, #tpu.memory_space<vmem>>) semaphore(%run_scoped3A : memref<!tpu.dma_semaphore, #tpu.memory_space<semaphore_mem>>) {add = true}
        %dma_wait3A_117 = arith.constant 0 : i32
        %dma_wait3A_118 = tpu.memref_slice %arg8[%add3A_50, %dma_wait3A_117] : memref<80x125xi32, #tpu.memory_space<vmem>> -> memref<1x125xi32, #tpu.memory_space<vmem>>
        %dma_wait3A_119 = tpu.memref_squeeze %dma_wait3A_118 : memref<1x125xi32, #tpu.memory_space<vmem>> -> memref<125xi32, #tpu.memory_space<vmem>>
        %dma_wait3A_120 = arith.constant 0 : i32
        %dma_wait3A_121 = arith.constant 0 : i32
        %dma_wait3A_122 = tpu.memref_slice %arg13[%dma_wait3A_120, %dma_wait3A_121] : memref<10000x32xf32, #tpu.memory_space<vmem_shared>> -> memref<10000x32xf32, #tpu.memory_space<vmem_shared>>
        tpu.wait_indirect_dma semaphore(%run_scoped3A : memref<!tpu.dma_semaphore, #tpu.memory_space<semaphore_mem>>) src(%arg9 : memref<125x32xf32, #tpu.memory_space<vmem>>) dst(%dma_wait3A_122 : memref<10000x32xf32, #tpu.memory_space<vmem_shared>>)
        tpu.yield
      }) : () -> ()
      %add3A_56 = arith.constant 4 : i32
      %add3A_57 = arith.addi %add3A_50, %add3A_56 : i32
      %lt3A = arith.constant 80 : i32
      %lt3A_58 = arith.cmpi slt, %add3A_57, %lt3A : i32
      %convert_element_type3A = arith.extui %lt3A_58 : i1 to i32
      %cond3A = arith.constant 0 : i32
      %cond3A_59 = arith.cmpi ne, %convert_element_type3A, %cond3A : i32
      scf.if %cond3A_59 {
        %add3A_111 = arith.constant 4 : i32
        %add3A_112 = arith.addi %add3A_50, %add3A_111 : i32
        %dma_start3A_113 = arith.constant 0 : i32
        %dma_start3A_114 = tpu.memref_slice %arg7[%add3A_112, %dma_start3A_113] : memref<80x125xi32, #tpu.memory_space<vmem>> -> memref<1x125xi32, #tpu.memory_space<vmem>>
        %dma_start3A_115 = tpu.memref_squeeze %dma_start3A_114 : memref<1x125xi32, #tpu.memory_space<vmem>> -> memref<125xi32, #tpu.memory_space<vmem>>
        %dma_start3A_116 = arith.constant 0 : i32
        %dma_start3A_117 = arith.constant 0 : i32
        %dma_start3A_118 = tpu.memref_slice %arg4[%dma_start3A_116, %dma_start3A_117] : memref<10000x32xf32, #tpu.memory_space<hbm>> -> memref<10000x32xf32, #tpu.memory_space<hbm>>
        tpu.enqueue_indirect_dma source(%dma_start3A_118 : memref<10000x32xf32, #tpu.memory_space<hbm>>) target(%arg9 : memref<125x32xf32, #tpu.memory_space<vmem>>) offsets(%dma_start3A_115 : memref<125xi32, #tpu.memory_space<vmem>>) semaphore(%arg14 : memref<!tpu.dma_semaphore, #tpu.memory_space<semaphore_mem>>)
      } else {
      }
      %mul3A_60 = arith.constant 4 : i32
      %mul3A_61 = arith.muli %scan3A_46, %mul3A_60 : i32
      %add3A_62 = arith.constant 1 : i32
      %add3A_63 = arith.addi %mul3A_61, %add3A_62 : i32
      %dma_wait3A_64 = arith.constant 0 : i32
      %dma_wait3A_65 = arith.constant 0 : i32
      %dma_wait3A_66 = tpu.memref_slice %arg4[%dma_wait3A_64, %dma_wait3A_65] : memref<10000x32xf32, #tpu.memory_space<hbm>> -> memref<125x32xf32, #tpu.memory_space<hbm>>
      %dma_wait3A_67 = arith.constant 0 : i32
      %dma_wait3A_68 = arith.constant 0 : i32
      %dma_wait3A_69 = tpu.memref_slice %arg4[%dma_wait3A_67, %dma_wait3A_68] : memref<10000x32xf32, #tpu.memory_space<hbm>> -> memref<125x32xf32, #tpu.memory_space<hbm>>
      tpu.wait_dma2 semaphore(%arg15 : memref<!tpu.dma_semaphore, #tpu.memory_space<semaphore_mem>>) src(%dma_wait3A_69 : memref<125x32xf32, #tpu.memory_space<hbm>>) dst(%arg10 : memref<125x32xf32, #tpu.memory_space<vmem>>)
      "tpu.region"() ({
        %run_scoped3A = tpu.sem_alloc : memref<!tpu.dma_semaphore, #tpu.memory_space<semaphore_mem>>
        %dma_start3A_111 = arith.constant 0 : i32
        %dma_start3A_112 = tpu.memref_slice %arg8[%add3A_63, %dma_start3A_111] : memref<80x125xi32, #tpu.memory_space<vmem>> -> memref<1x125xi32, #tpu.memory_space<vmem>>
        %dma_start3A_113 = tpu.memref_squeeze %dma_start3A_112 : memref<1x125xi32, #tpu.memory_space<vmem>> -> memref<125xi32, #tpu.memory_space<vmem>>
        %dma_start3A_114 = arith.constant 0 : i32
        %dma_start3A_115 = arith.constant 0 : i32
        %dma_start3A_116 = tpu.memref_slice %arg13[%dma_start3A_114, %dma_start3A_115] : memref<10000x32xf32, #tpu.memory_space<vmem_shared>> -> memref<10000x32xf32, #tpu.memory_space<vmem_shared>>
        tpu.enqueue_indirect_dma source(%arg10 : memref<125x32xf32, #tpu.memory_space<vmem>>) target(%dma_start3A_116 : memref<10000x32xf32, #tpu.memory_space<vmem_shared>>) offsets(%dma_start3A_113 : memref<125xi32, #tpu.memory_space<vmem>>) semaphore(%run_scoped3A : memref<!tpu.dma_semaphore, #tpu.memory_space<semaphore_mem>>) {add = true}
        %dma_wait3A_117 = arith.constant 0 : i32
        %dma_wait3A_118 = tpu.memref_slice %arg8[%add3A_63, %dma_wait3A_117] : memref<80x125xi32, #tpu.memory_space<vmem>> -> memref<1x125xi32, #tpu.memory_space<vmem>>
        %dma_wait3A_119 = tpu.memref_squeeze %dma_wait3A_118 : memref<1x125xi32, #tpu.memory_space<vmem>> -> memref<125xi32, #tpu.memory_space<vmem>>
        %dma_wait3A_120 = arith.constant 0 : i32
        %dma_wait3A_121 = arith.constant 0 : i32
        %dma_wait3A_122 = tpu.memref_slice %arg13[%dma_wait3A_120, %dma_wait3A_121] : memref<10000x32xf32, #tpu.memory_space<vmem_shared>> -> memref<10000x32xf32, #tpu.memory_space<vmem_shared>>
        tpu.wait_indirect_dma semaphore(%run_scoped3A : memref<!tpu.dma_semaphore, #tpu.memory_space<semaphore_mem>>) src(%arg10 : memref<125x32xf32, #tpu.memory_space<vmem>>) dst(%dma_wait3A_122 : memref<10000x32xf32, #tpu.memory_space<vmem_shared>>)
        tpu.yield
      }) : () -> ()
      %add3A_70 = arith.constant 4 : i32
      %add3A_71 = arith.addi %add3A_63, %add3A_70 : i32
      %lt3A_72 = arith.constant 80 : i32
      %lt3A_73 = arith.cmpi slt, %add3A_71, %lt3A_72 : i32
      %convert_element_type3A_74 = arith.extui %lt3A_73 : i1 to i32
      %cond3A_75 = arith.constant 0 : i32
      %cond3A_76 = arith.cmpi ne, %convert_element_type3A_74, %cond3A_75 : i32
      scf.if %cond3A_76 {
        %add3A_111 = arith.constant 4 : i32
        %add3A_112 = arith.addi %add3A_63, %add3A_111 : i32
        %dma_start3A_113 = arith.constant 0 : i32
        %dma_start3A_114 = tpu.memref_slice %arg7[%add3A_112, %dma_start3A_113] : memref<80x125xi32, #tpu.memory_space<vmem>> -> memref<1x125xi32, #tpu.memory_space<vmem>>
        %dma_start3A_115 = tpu.memref_squeeze %dma_start3A_114 : memref<1x125xi32, #tpu.memory_space<vmem>> -> memref<125xi32, #tpu.memory_space<vmem>>
        %dma_start3A_116 = arith.constant 0 : i32
        %dma_start3A_117 = arith.constant 0 : i32
        %dma_start3A_118 = tpu.memref_slice %arg4[%dma_start3A_116, %dma_start3A_117] : memref<10000x32xf32, #tpu.memory_space<hbm>> -> memref<10000x32xf32, #tpu.memory_space<hbm>>
        tpu.enqueue_indirect_dma source(%dma_start3A_118 : memref<10000x32xf32, #tpu.memory_space<hbm>>) target(%arg10 : memref<125x32xf32, #tpu.memory_space<vmem>>) offsets(%dma_start3A_115 : memref<125xi32, #tpu.memory_space<vmem>>) semaphore(%arg15 : memref<!tpu.dma_semaphore, #tpu.memory_space<semaphore_mem>>)
      } else {
      }
      %mul3A_77 = arith.constant 4 : i32
      %mul3A_78 = arith.muli %scan3A_46, %mul3A_77 : i32
      %add3A_79 = arith.constant 2 : i32
      %add3A_80 = arith.addi %mul3A_78, %add3A_79 : i32
      %dma_wait3A_81 = arith.constant 0 : i32
      %dma_wait3A_82 = arith.constant 0 : i32
      %dma_wait3A_83 = tpu.memref_slice %arg4[%dma_wait3A_81, %dma_wait3A_82] : memref<10000x32xf32, #tpu.memory_space<hbm>> -> memref<125x32xf32, #tpu.memory_space<hbm>>
      %dma_wait3A_84 = arith.constant 0 : i32
      %dma_wait3A_85 = arith.constant 0 : i32
      %dma_wait3A_86 = tpu.memref_slice %arg4[%dma_wait3A_84, %dma_wait3A_85] : memref<10000x32xf32, #tpu.memory_space<hbm>> -> memref<125x32xf32, #tpu.memory_space<hbm>>
      tpu.wait_dma2 semaphore(%arg16 : memref<!tpu.dma_semaphore, #tpu.memory_space<semaphore_mem>>) src(%dma_wait3A_86 : memref<125x32xf32, #tpu.memory_space<hbm>>) dst(%arg11 : memref<125x32xf32, #tpu.memory_space<vmem>>)
      "tpu.region"() ({
        %run_scoped3A = tpu.sem_alloc : memref<!tpu.dma_semaphore, #tpu.memory_space<semaphore_mem>>
        %dma_start3A_111 = arith.constant 0 : i32
        %dma_start3A_112 = tpu.memref_slice %arg8[%add3A_80, %dma_start3A_111] : memref<80x125xi32, #tpu.memory_space<vmem>> -> memref<1x125xi32, #tpu.memory_space<vmem>>
        %dma_start3A_113 = tpu.memref_squeeze %dma_start3A_112 : memref<1x125xi32, #tpu.memory_space<vmem>> -> memref<125xi32, #tpu.memory_space<vmem>>
        %dma_start3A_114 = arith.constant 0 : i32
        %dma_start3A_115 = arith.constant 0 : i32
        %dma_start3A_116 = tpu.memref_slice %arg13[%dma_start3A_114, %dma_start3A_115] : memref<10000x32xf32, #tpu.memory_space<vmem_shared>> -> memref<10000x32xf32, #tpu.memory_space<vmem_shared>>
        tpu.enqueue_indirect_dma source(%arg11 : memref<125x32xf32, #tpu.memory_space<vmem>>) target(%dma_start3A_116 : memref<10000x32xf32, #tpu.memory_space<vmem_shared>>) offsets(%dma_start3A_113 : memref<125xi32, #tpu.memory_space<vmem>>) semaphore(%run_scoped3A : memref<!tpu.dma_semaphore, #tpu.memory_space<semaphore_mem>>) {add = true}
        %dma_wait3A_117 = arith.constant 0 : i32
        %dma_wait3A_118 = tpu.memref_slice %arg8[%add3A_80, %dma_wait3A_117] : memref<80x125xi32, #tpu.memory_space<vmem>> -> memref<1x125xi32, #tpu.memory_space<vmem>>
        %dma_wait3A_119 = tpu.memref_squeeze %dma_wait3A_118 : memref<1x125xi32, #tpu.memory_space<vmem>> -> memref<125xi32, #tpu.memory_space<vmem>>
        %dma_wait3A_120 = arith.constant 0 : i32
        %dma_wait3A_121 = arith.constant 0 : i32
        %dma_wait3A_122 = tpu.memref_slice %arg13[%dma_wait3A_120, %dma_wait3A_121] : memref<10000x32xf32, #tpu.memory_space<vmem_shared>> -> memref<10000x32xf32, #tpu.memory_space<vmem_shared>>
        tpu.wait_indirect_dma semaphore(%run_scoped3A : memref<!tpu.dma_semaphore, #tpu.memory_space<semaphore_mem>>) src(%arg11 : memref<125x32xf32, #tpu.memory_space<vmem>>) dst(%dma_wait3A_122 : memref<10000x32xf32, #tpu.memory_space<vmem_shared>>)
        tpu.yield
      }) : () -> ()
      %add3A_87 = arith.constant 4 : i32
      %add3A_88 = arith.addi %add3A_80, %add3A_87 : i32
      %lt3A_89 = arith.constant 80 : i32
      %lt3A_90 = arith.cmpi slt, %add3A_88, %lt3A_89 : i32
      %convert_element_type3A_91 = arith.extui %lt3A_90 : i1 to i32
      %cond3A_92 = arith.constant 0 : i32
      %cond3A_93 = arith.cmpi ne, %convert_element_type3A_91, %cond3A_92 : i32
      scf.if %cond3A_93 {
        %add3A_111 = arith.constant 4 : i32
        %add3A_112 = arith.addi %add3A_80, %add3A_111 : i32
        %dma_start3A_113 = arith.constant 0 : i32
        %dma_start3A_114 = tpu.memref_slice %arg7[%add3A_112, %dma_start3A_113] : memref<80x125xi32, #tpu.memory_space<vmem>> -> memref<1x125xi32, #tpu.memory_space<vmem>>
        %dma_start3A_115 = tpu.memref_squeeze %dma_start3A_114 : memref<1x125xi32, #tpu.memory_space<vmem>> -> memref<125xi32, #tpu.memory_space<vmem>>
        %dma_start3A_116 = arith.constant 0 : i32
        %dma_start3A_117 = arith.constant 0 : i32
        %dma_start3A_118 = tpu.memref_slice %arg4[%dma_start3A_116, %dma_start3A_117] : memref<10000x32xf32, #tpu.memory_space<hbm>> -> memref<10000x32xf32, #tpu.memory_space<hbm>>
        tpu.enqueue_indirect_dma source(%dma_start3A_118 : memref<10000x32xf32, #tpu.memory_space<hbm>>) target(%arg11 : memref<125x32xf32, #tpu.memory_space<vmem>>) offsets(%dma_start3A_115 : memref<125xi32, #tpu.memory_space<vmem>>) semaphore(%arg16 : memref<!tpu.dma_semaphore, #tpu.memory_space<semaphore_mem>>)
      } else {
      }
      %mul3A_94 = arith.constant 4 : i32
      %mul3A_95 = arith.muli %scan3A_46, %mul3A_94 : i32
      %add3A_96 = arith.constant 3 : i32
      %add3A_97 = arith.addi %mul3A_95, %add3A_96 : i32
      %dma_wait3A_98 = arith.constant 0 : i32
      %dma_wait3A_99 = arith.constant 0 : i32
      %dma_wait3A_100 = tpu.memref_slice %arg4[%dma_wait3A_98, %dma_wait3A_99] : memref<10000x32xf32, #tpu.memory_space<hbm>> -> memref<125x32xf32, #tpu.memory_space<hbm>>
      %dma_wait3A_101 = arith.constant 0 : i32
      %dma_wait3A_102 = arith.constant 0 : i32
      %dma_wait3A_103 = tpu.memref_slice %arg4[%dma_wait3A_101, %dma_wait3A_102] : memref<10000x32xf32, #tpu.memory_space<hbm>> -> memref<125x32xf32, #tpu.memory_space<hbm>>
      tpu.wait_dma2 semaphore(%arg17 : memref<!tpu.dma_semaphore, #tpu.memory_space<semaphore_mem>>) src(%dma_wait3A_103 : memref<125x32xf32, #tpu.memory_space<hbm>>) dst(%arg12 : memref<125x32xf32, #tpu.memory_space<vmem>>)
      "tpu.region"() ({
        %run_scoped3A = tpu.sem_alloc : memref<!tpu.dma_semaphore, #tpu.memory_space<semaphore_mem>>
        %dma_start3A_111 = arith.constant 0 : i32
        %dma_start3A_112 = tpu.memref_slice %arg8[%add3A_97, %dma_start3A_111] : memref<80x125xi32, #tpu.memory_space<vmem>> -> memref<1x125xi32, #tpu.memory_space<vmem>>
        %dma_start3A_113 = tpu.memref_squeeze %dma_start3A_112 : memref<1x125xi32, #tpu.memory_space<vmem>> -> memref<125xi32, #tpu.memory_space<vmem>>
        %dma_start3A_114 = arith.constant 0 : i32
        %dma_start3A_115 = arith.constant 0 : i32
        %dma_start3A_116 = tpu.memref_slice %arg13[%dma_start3A_114, %dma_start3A_115] : memref<10000x32xf32, #tpu.memory_space<vmem_shared>> -> memref<10000x32xf32, #tpu.memory_space<vmem_shared>>
        tpu.enqueue_indirect_dma source(%arg12 : memref<125x32xf32, #tpu.memory_space<vmem>>) target(%dma_start3A_116 : memref<10000x32xf32, #tpu.memory_space<vmem_shared>>) offsets(%dma_start3A_113 : memref<125xi32, #tpu.memory_space<vmem>>) semaphore(%run_scoped3A : memref<!tpu.dma_semaphore, #tpu.memory_space<semaphore_mem>>) {add = true}
        %dma_wait3A_117 = arith.constant 0 : i32
        %dma_wait3A_118 = tpu.memref_slice %arg8[%add3A_97, %dma_wait3A_117] : memref<80x125xi32, #tpu.memory_space<vmem>> -> memref<1x125xi32, #tpu.memory_space<vmem>>
        %dma_wait3A_119 = tpu.memref_squeeze %dma_wait3A_118 : memref<1x125xi32, #tpu.memory_space<vmem>> -> memref<125xi32, #tpu.memory_space<vmem>>
        %dma_wait3A_120 = arith.constant 0 : i32
        %dma_wait3A_121 = arith.constant 0 : i32
        %dma_wait3A_122 = tpu.memref_slice %arg13[%dma_wait3A_120, %dma_wait3A_121] : memref<10000x32xf32, #tpu.memory_space<vmem_shared>> -> memref<10000x32xf32, #tpu.memory_space<vmem_shared>>
        tpu.wait_indirect_dma semaphore(%run_scoped3A : memref<!tpu.dma_semaphore, #tpu.memory_space<semaphore_mem>>) src(%arg12 : memref<125x32xf32, #tpu.memory_space<vmem>>) dst(%dma_wait3A_122 : memref<10000x32xf32, #tpu.memory_space<vmem_shared>>)
        tpu.yield
      }) : () -> ()
      %add3A_104 = arith.constant 4 : i32
      %add3A_105 = arith.addi %add3A_97, %add3A_104 : i32
      %lt3A_106 = arith.constant 80 : i32
      %lt3A_107 = arith.cmpi slt, %add3A_105, %lt3A_106 : i32
      %convert_element_type3A_108 = arith.extui %lt3A_107 : i1 to i32
      %cond3A_109 = arith.constant 0 : i32
      %cond3A_110 = arith.cmpi ne, %convert_element_type3A_108, %cond3A_109 : i32
      scf.if %cond3A_110 {
        %add3A_111 = arith.constant 4 : i32
        %add3A_112 = arith.addi %add3A_97, %add3A_111 : i32
        %dma_start3A_113 = arith.constant 0 : i32
        %dma_start3A_114 = tpu.memref_slice %arg7[%add3A_112, %dma_start3A_113] : memref<80x125xi32, #tpu.memory_space<vmem>> -> memref<1x125xi32, #tpu.memory_space<vmem>>
        %dma_start3A_115 = tpu.memref_squeeze %dma_start3A_114 : memref<1x125xi32, #tpu.memory_space<vmem>> -> memref<125xi32, #tpu.memory_space<vmem>>
        %dma_start3A_116 = arith.constant 0 : i32
        %dma_start3A_117 = arith.constant 0 : i32
        %dma_start3A_118 = tpu.memref_slice %arg4[%dma_start3A_116, %dma_start3A_117] : memref<10000x32xf32, #tpu.memory_space<hbm>> -> memref<10000x32xf32, #tpu.memory_space<hbm>>
        tpu.enqueue_indirect_dma source(%dma_start3A_118 : memref<10000x32xf32, #tpu.memory_space<hbm>>) target(%arg12 : memref<125x32xf32, #tpu.memory_space<vmem>>) offsets(%dma_start3A_115 : memref<125xi32, #tpu.memory_space<vmem>>) semaphore(%arg17 : memref<!tpu.dma_semaphore, #tpu.memory_space<semaphore_mem>>)
      } else {
      }
    }
    %scan3A_40 = arith.constant 20 : i32
    %barrier3A_41 = arith.constant 0 : index
    tpu.barrier barrier_id(%barrier3A_41)
    %mul3A_42 = arith.constant 625 : i32
    %mul3A_43 = arith.muli %arg1, %mul3A_42 : i32
    %mul3A_44 = arith.constant 625 : i32
    %mul3A_45 = arith.muli %arg1, %mul3A_44 : i32
    "tpu.region"() ({
      %run_scoped3A = tpu.sem_alloc : memref<!tpu.dma_semaphore, #tpu.memory_space<semaphore_mem>>
      %dma_start3A_46 = arith.constant 0 : i32
      %dma_start3A_47 = tpu.memref_slice %arg6[%arg0, %mul3A_45, %dma_start3A_46] : memref<2x10000x32xf32, #tpu.memory_space<hbm>> -> memref<1x625x32xf32, #tpu.memory_space<hbm>>
      %dma_start3A_48 = tpu.memref_squeeze %dma_start3A_47 : memref<1x625x32xf32, #tpu.memory_space<hbm>> -> memref<625x32xf32, #tpu.memory_space<hbm>>
      %dma_start3A_49 = arith.constant 0 : i32
      %dma_start3A_50 = tpu.memref_slice %arg13[%mul3A_43, %dma_start3A_49] : memref<10000x32xf32, #tpu.memory_space<vmem_shared>> -> memref<625x32xf32, #tpu.memory_space<vmem_shared>>
      tpu.enqueue_dma source(%dma_start3A_50 : memref<625x32xf32, #tpu.memory_space<vmem_shared>>) target(%dma_start3A_48 : memref<625x32xf32, #tpu.memory_space<hbm>>) target_semaphore(%run_scoped3A : memref<!tpu.dma_semaphore, #tpu.memory_space<semaphore_mem>>)
      %dma_wait3A = arith.constant 0 : i32
      %dma_wait3A_51 = tpu.memref_slice %arg6[%arg0, %mul3A_45, %dma_wait3A] : memref<2x10000x32xf32, #tpu.memory_space<hbm>> -> memref<1x625x32xf32, #tpu.memory_space<hbm>>
      %dma_wait3A_52 = tpu.memref_squeeze %dma_wait3A_51 : memref<1x625x32xf32, #tpu.memory_space<hbm>> -> memref<625x32xf32, #tpu.memory_space<hbm>>
      %dma_wait3A_53 = arith.constant 0 : i32
      %dma_wait3A_54 = tpu.memref_slice %arg13[%mul3A_43, %dma_wait3A_53] : memref<10000x32xf32, #tpu.memory_space<vmem_shared>> -> memref<625x32xf32, #tpu.memory_space<vmem_shared>>
      tpu.wait_dma2 semaphore(%run_scoped3A : memref<!tpu.dma_semaphore, #tpu.memory_space<semaphore_mem>>) src(%dma_wait3A_54 : memref<625x32xf32, #tpu.memory_space<vmem_shared>>) dst(%dma_wait3A_52 : memref<625x32xf32, #tpu.memory_space<hbm>>)
      tpu.yield
    }) : () -> ()
    return
  }
}

#map = affine_map<(d0, d1) -> (0, 0)>
#map1 = affine_map<(d0, d1) -> (0, 0, 0)>
module attributes {stable_mosaic.version = 14 : i64} {
  func.func @count_kernel(%arg0: i32, %arg1: i32, %arg2: memref<2560x125xi32, #tpu.memory_space<hbm>>, %arg3: memref<125x8xf32, #tpu.memory_space<hbm>>, %arg4: memref<10000x8xf32, #tpu.memory_space<hbm>>, %arg5: memref<2x10000x8xf32, #tpu.memory_space<hbm>>, %arg6: memref<80x125xi32, #tpu.memory_space<vmem>>, %arg7: memref<125x8xf32, #tpu.memory_space<vmem>>, %arg8: memref<10000x8xf32, #tpu.memory_space<vmem_shared>>) attributes {dimension_semantics = [#tpu.dimension_semantics<core_parallel>, #tpu.dimension_semantics<subcore_parallel>], iteration_bounds = array<i64: 2, 16>, scalar_prefetch = 0 : i64, scratch_operands = 3 : i64, tpu.core_type = #tpu.core_type<sc_vector_subcore>, window_params = [{transform_indices = #map}, {transform_indices = #map}, {transform_indices = #map}, {transform_indices = #map1}]} {
    %mul3A = arith.constant 16 : i32
    %mul3A_0 = arith.muli %arg0, %mul3A : i32
    %add3A = arith.addi %mul3A_0, %arg1 : i32
    %mul3A_1 = arith.constant 625 : i32
    %mul3A_2 = arith.muli %arg1, %mul3A_1 : i32
    %mul3A_3 = arith.constant 625 : i32
    %mul3A_4 = arith.muli %arg1, %mul3A_3 : i32
    "tpu.region"() ({
      %run_scoped3A = tpu.sem_alloc : memref<!tpu.dma_semaphore, #tpu.memory_space<semaphore_mem>>
      %dma_start3A = arith.constant 0 : i32
      %dma_start3A_17 = tpu.memref_slice %arg8[%mul3A_4, %dma_start3A] : memref<10000x8xf32, #tpu.memory_space<vmem_shared>> -> memref<625x8xf32, #tpu.memory_space<vmem_shared>>
      %dma_start3A_18 = arith.constant 0 : i32
      %dma_start3A_19 = tpu.memref_slice %arg4[%mul3A_2, %dma_start3A_18] : memref<10000x8xf32, #tpu.memory_space<hbm>> -> memref<625x8xf32, #tpu.memory_space<hbm>>
      tpu.enqueue_dma source(%dma_start3A_19 : memref<625x8xf32, #tpu.memory_space<hbm>>) target(%dma_start3A_17 : memref<625x8xf32, #tpu.memory_space<vmem_shared>>) target_semaphore(%run_scoped3A : memref<!tpu.dma_semaphore, #tpu.memory_space<semaphore_mem>>)
      %dma_wait3A = arith.constant 0 : i32
      %dma_wait3A_20 = tpu.memref_slice %arg8[%mul3A_4, %dma_wait3A] : memref<10000x8xf32, #tpu.memory_space<vmem_shared>> -> memref<625x8xf32, #tpu.memory_space<vmem_shared>>
      %dma_wait3A_21 = arith.constant 0 : i32
      %dma_wait3A_22 = tpu.memref_slice %arg4[%mul3A_2, %dma_wait3A_21] : memref<10000x8xf32, #tpu.memory_space<hbm>> -> memref<625x8xf32, #tpu.memory_space<hbm>>
      tpu.wait_dma2 semaphore(%run_scoped3A : memref<!tpu.dma_semaphore, #tpu.memory_space<semaphore_mem>>) src(%dma_wait3A_22 : memref<625x8xf32, #tpu.memory_space<hbm>>) dst(%dma_wait3A_20 : memref<625x8xf32, #tpu.memory_space<vmem_shared>>)
      tpu.yield
    }) : () -> ()
    %mul3A_5 = arith.constant 80 : i32
    %mul3A_6 = arith.muli %add3A, %mul3A_5 : i32
    "tpu.region"() ({
      %run_scoped3A = tpu.sem_alloc : memref<!tpu.dma_semaphore, #tpu.memory_space<semaphore_mem>>
      %dma_start3A = arith.constant 0 : i32
      %dma_start3A_17 = tpu.memref_slice %arg2[%mul3A_6, %dma_start3A] : memref<2560x125xi32, #tpu.memory_space<hbm>> -> memref<80x125xi32, #tpu.memory_space<hbm>>
      %dma_start3A_18 = arith.constant 0 : i32
      %dma_start3A_19 = tpu.memref_slice %arg2[%mul3A_6, %dma_start3A_18] : memref<2560x125xi32, #tpu.memory_space<hbm>> -> memref<80x125xi32, #tpu.memory_space<hbm>>
      tpu.enqueue_dma source(%dma_start3A_19 : memref<80x125xi32, #tpu.memory_space<hbm>>) target(%arg6 : memref<80x125xi32, #tpu.memory_space<vmem>>) target_semaphore(%run_scoped3A : memref<!tpu.dma_semaphore, #tpu.memory_space<semaphore_mem>>)
      %dma_wait3A = arith.constant 0 : i32
      %dma_wait3A_20 = tpu.memref_slice %arg2[%mul3A_6, %dma_wait3A] : memref<2560x125xi32, #tpu.memory_space<hbm>> -> memref<80x125xi32, #tpu.memory_space<hbm>>
      %dma_wait3A_21 = arith.constant 0 : i32
      %dma_wait3A_22 = tpu.memref_slice %arg2[%mul3A_6, %dma_wait3A_21] : memref<2560x125xi32, #tpu.memory_space<hbm>> -> memref<80x125xi32, #tpu.memory_space<hbm>>
      tpu.wait_dma2 semaphore(%run_scoped3A : memref<!tpu.dma_semaphore, #tpu.memory_space<semaphore_mem>>) src(%dma_wait3A_22 : memref<80x125xi32, #tpu.memory_space<hbm>>) dst(%arg6 : memref<80x125xi32, #tpu.memory_space<vmem>>)
      tpu.yield
    }) : () -> ()
    "tpu.region"() ({
      %run_scoped3A = tpu.sem_alloc : memref<!tpu.dma_semaphore, #tpu.memory_space<semaphore_mem>>
      tpu.enqueue_dma source(%arg3 : memref<125x8xf32, #tpu.memory_space<hbm>>) target(%arg7 : memref<125x8xf32, #tpu.memory_space<vmem>>) target_semaphore(%run_scoped3A : memref<!tpu.dma_semaphore, #tpu.memory_space<semaphore_mem>>)
      tpu.wait_dma2 semaphore(%run_scoped3A : memref<!tpu.dma_semaphore, #tpu.memory_space<semaphore_mem>>) src(%arg3 : memref<125x8xf32, #tpu.memory_space<hbm>>) dst(%arg7 : memref<125x8xf32, #tpu.memory_space<vmem>>)
      tpu.yield
    }) : () -> ()
    %barrier3A = arith.constant 0 : index
    tpu.barrier barrier_id(%barrier3A)
    %scan3A = arith.constant 0 : i32
    %scan3A_7 = arith.constant 0 : i32
    %scan3A_8 = arith.constant 80 : i32
    %scan3A_9 = arith.addi %scan3A_7, %scan3A_8 : i32
    %scan3A_10 = arith.constant 1 : i32
    scf.for %scan3A_17 = %scan3A_7 to %scan3A_9 step %scan3A_10  : i32 {
      "tpu.region"() ({
        %run_scoped3A = tpu.sem_alloc : memref<!tpu.dma_semaphore, #tpu.memory_space<semaphore_mem>>
        %dma_start3A = arith.constant 0 : i32
        %dma_start3A_18 = tpu.memref_slice %arg6[%scan3A_17, %dma_start3A] : memref<80x125xi32, #tpu.memory_space<vmem>> -> memref<1x125xi32, #tpu.memory_space<vmem>>
        %dma_start3A_19 = tpu.memref_squeeze %dma_start3A_18 : memref<1x125xi32, #tpu.memory_space<vmem>> -> memref<125xi32, #tpu.memory_space<vmem>>
        %dma_start3A_20 = arith.constant 0 : i32
        %dma_start3A_21 = arith.constant 0 : i32
        %dma_start3A_22 = tpu.memref_slice %arg8[%dma_start3A_20, %dma_start3A_21] : memref<10000x8xf32, #tpu.memory_space<vmem_shared>> -> memref<10000x8xf32, #tpu.memory_space<vmem_shared>>
        tpu.enqueue_indirect_dma source(%arg7 : memref<125x8xf32, #tpu.memory_space<vmem>>) target(%dma_start3A_22 : memref<10000x8xf32, #tpu.memory_space<vmem_shared>>) offsets(%dma_start3A_19 : memref<125xi32, #tpu.memory_space<vmem>>) semaphore(%run_scoped3A : memref<!tpu.dma_semaphore, #tpu.memory_space<semaphore_mem>>) {add = true}
        %dma_wait3A = arith.constant 0 : i32
        %dma_wait3A_23 = tpu.memref_slice %arg6[%scan3A_17, %dma_wait3A] : memref<80x125xi32, #tpu.memory_space<vmem>> -> memref<1x125xi32, #tpu.memory_space<vmem>>
        %dma_wait3A_24 = tpu.memref_squeeze %dma_wait3A_23 : memref<1x125xi32, #tpu.memory_space<vmem>> -> memref<125xi32, #tpu.memory_space<vmem>>
        %dma_wait3A_25 = arith.constant 0 : i32
        %dma_wait3A_26 = arith.constant 0 : i32
        %dma_wait3A_27 = tpu.memref_slice %arg8[%dma_wait3A_25, %dma_wait3A_26] : memref<10000x8xf32, #tpu.memory_space<vmem_shared>> -> memref<10000x8xf32, #tpu.memory_space<vmem_shared>>
        tpu.wait_indirect_dma semaphore(%run_scoped3A : memref<!tpu.dma_semaphore, #tpu.memory_space<semaphore_mem>>) src(%arg7 : memref<125x8xf32, #tpu.memory_space<vmem>>) dst(%dma_wait3A_27 : memref<10000x8xf32, #tpu.memory_space<vmem_shared>>)
        tpu.yield
      }) : () -> ()
    }
    %scan3A_11 = arith.constant 80 : i32
    %barrier3A_12 = arith.constant 0 : index
    tpu.barrier barrier_id(%barrier3A_12)
    %mul3A_13 = arith.constant 625 : i32
    %mul3A_14 = arith.muli %arg1, %mul3A_13 : i32
    %mul3A_15 = arith.constant 625 : i32
    %mul3A_16 = arith.muli %arg1, %mul3A_15 : i32
    "tpu.region"() ({
      %run_scoped3A = tpu.sem_alloc : memref<!tpu.dma_semaphore, #tpu.memory_space<semaphore_mem>>
      %dma_start3A = arith.constant 0 : i32
      %dma_start3A_17 = tpu.memref_slice %arg5[%arg0, %mul3A_16, %dma_start3A] : memref<2x10000x8xf32, #tpu.memory_space<hbm>> -> memref<1x625x8xf32, #tpu.memory_space<hbm>>
      %dma_start3A_18 = tpu.memref_squeeze %dma_start3A_17 : memref<1x625x8xf32, #tpu.memory_space<hbm>> -> memref<625x8xf32, #tpu.memory_space<hbm>>
      %dma_start3A_19 = arith.constant 0 : i32
      %dma_start3A_20 = tpu.memref_slice %arg8[%mul3A_14, %dma_start3A_19] : memref<10000x8xf32, #tpu.memory_space<vmem_shared>> -> memref<625x8xf32, #tpu.memory_space<vmem_shared>>
      tpu.enqueue_dma source(%dma_start3A_20 : memref<625x8xf32, #tpu.memory_space<vmem_shared>>) target(%dma_start3A_18 : memref<625x8xf32, #tpu.memory_space<hbm>>) target_semaphore(%run_scoped3A : memref<!tpu.dma_semaphore, #tpu.memory_space<semaphore_mem>>)
      %dma_wait3A = arith.constant 0 : i32
      %dma_wait3A_21 = tpu.memref_slice %arg5[%arg0, %mul3A_16, %dma_wait3A] : memref<2x10000x8xf32, #tpu.memory_space<hbm>> -> memref<1x625x8xf32, #tpu.memory_space<hbm>>
      %dma_wait3A_22 = tpu.memref_squeeze %dma_wait3A_21 : memref<1x625x8xf32, #tpu.memory_space<hbm>> -> memref<625x8xf32, #tpu.memory_space<hbm>>
      %dma_wait3A_23 = arith.constant 0 : i32
      %dma_wait3A_24 = tpu.memref_slice %arg8[%mul3A_14, %dma_wait3A_23] : memref<10000x8xf32, #tpu.memory_space<vmem_shared>> -> memref<625x8xf32, #tpu.memory_space<vmem_shared>>
      tpu.wait_dma2 semaphore(%run_scoped3A : memref<!tpu.dma_semaphore, #tpu.memory_space<semaphore_mem>>) src(%dma_wait3A_24 : memref<625x8xf32, #tpu.memory_space<vmem_shared>>) dst(%dma_wait3A_22 : memref<625x8xf32, #tpu.memory_space<hbm>>)
      tpu.yield
    }) : () -> ()
    return
  }
}

#map = affine_map<(d0, d1) -> (0, 0)>
#map1 = affine_map<(d0, d1) -> (0, 0, 0)>
module attributes {stable_mosaic.version = 14 : i64} {
  func.func @scatter_kernel(%arg0: i32, %arg1: i32, %arg2: memref<2560x125xi32, #tpu.memory_space<hbm>>, %arg3: memref<2560x125xi32, #tpu.memory_space<hbm>>, %arg4: memref<10000x64xf32, #tpu.memory_space<hbm>>, %arg5: memref<10000x64xf32, #tpu.memory_space<hbm>>, %arg6: memref<2x10000x64xf32, #tpu.memory_space<hbm>>, %arg7: memref<80x125xi32, #tpu.memory_space<vmem>>, %arg8: memref<80x125xi32, #tpu.memory_space<vmem>>, %arg9: memref<125x64xf32, #tpu.memory_space<vmem>>, %arg10: memref<125x64xf32, #tpu.memory_space<vmem>>, %arg11: memref<125x64xf32, #tpu.memory_space<vmem>>, %arg12: memref<125x64xf32, #tpu.memory_space<vmem>>, %arg13: memref<10000x64xf32, #tpu.memory_space<vmem_shared>>, %arg14: memref<!tpu.dma_semaphore, #tpu.memory_space<semaphore_mem>>, %arg15: memref<!tpu.dma_semaphore, #tpu.memory_space<semaphore_mem>>, %arg16: memref<!tpu.dma_semaphore, #tpu.memory_space<semaphore_mem>>, %arg17: memref<!tpu.dma_semaphore, #tpu.memory_space<semaphore_mem>>) attributes {dimension_semantics = [#tpu.dimension_semantics<core_parallel>, #tpu.dimension_semantics<subcore_parallel>], iteration_bounds = array<i64: 2, 16>, scalar_prefetch = 0 : i64, scratch_operands = 11 : i64, tpu.core_type = #tpu.core_type<sc_vector_subcore>, window_params = [{transform_indices = #map}, {transform_indices = #map}, {transform_indices = #map}, {transform_indices = #map}, {transform_indices = #map1}]} {
    %mul3A = arith.constant 16 : i32
    %mul3A_0 = arith.muli %arg0, %mul3A : i32
    %add3A = arith.addi %mul3A_0, %arg1 : i32
    %mul3A_1 = arith.constant 625 : i32
    %mul3A_2 = arith.muli %arg1, %mul3A_1 : i32
    %mul3A_3 = arith.constant 625 : i32
    %mul3A_4 = arith.muli %arg1, %mul3A_3 : i32
    "tpu.region"() ({
      %run_scoped3A = tpu.sem_alloc : memref<!tpu.dma_semaphore, #tpu.memory_space<semaphore_mem>>
      %dma_start3A_46 = arith.constant 0 : i32
      %dma_start3A_47 = tpu.memref_slice %arg13[%mul3A_4, %dma_start3A_46] : memref<10000x64xf32, #tpu.memory_space<vmem_shared>> -> memref<625x64xf32, #tpu.memory_space<vmem_shared>>
      %dma_start3A_48 = arith.constant 0 : i32
      %dma_start3A_49 = tpu.memref_slice %arg5[%mul3A_2, %dma_start3A_48] : memref<10000x64xf32, #tpu.memory_space<hbm>> -> memref<625x64xf32, #tpu.memory_space<hbm>>
      tpu.enqueue_dma source(%dma_start3A_49 : memref<625x64xf32, #tpu.memory_space<hbm>>) target(%dma_start3A_47 : memref<625x64xf32, #tpu.memory_space<vmem_shared>>) target_semaphore(%run_scoped3A : memref<!tpu.dma_semaphore, #tpu.memory_space<semaphore_mem>>)
      %dma_wait3A = arith.constant 0 : i32
      %dma_wait3A_50 = tpu.memref_slice %arg13[%mul3A_4, %dma_wait3A] : memref<10000x64xf32, #tpu.memory_space<vmem_shared>> -> memref<625x64xf32, #tpu.memory_space<vmem_shared>>
      %dma_wait3A_51 = arith.constant 0 : i32
      %dma_wait3A_52 = tpu.memref_slice %arg5[%mul3A_2, %dma_wait3A_51] : memref<10000x64xf32, #tpu.memory_space<hbm>> -> memref<625x64xf32, #tpu.memory_space<hbm>>
      tpu.wait_dma2 semaphore(%run_scoped3A : memref<!tpu.dma_semaphore, #tpu.memory_space<semaphore_mem>>) src(%dma_wait3A_52 : memref<625x64xf32, #tpu.memory_space<hbm>>) dst(%dma_wait3A_50 : memref<625x64xf32, #tpu.memory_space<vmem_shared>>)
      tpu.yield
    }) : () -> ()
    %mul3A_5 = arith.constant 80 : i32
    %mul3A_6 = arith.muli %add3A, %mul3A_5 : i32
    "tpu.region"() ({
      %run_scoped3A = tpu.sem_alloc : memref<!tpu.dma_semaphore, #tpu.memory_space<semaphore_mem>>
      %dma_start3A_46 = arith.constant 0 : i32
      %dma_start3A_47 = tpu.memref_slice %arg2[%mul3A_6, %dma_start3A_46] : memref<2560x125xi32, #tpu.memory_space<hbm>> -> memref<80x125xi32, #tpu.memory_space<hbm>>
      %dma_start3A_48 = arith.constant 0 : i32
      %dma_start3A_49 = tpu.memref_slice %arg2[%mul3A_6, %dma_start3A_48] : memref<2560x125xi32, #tpu.memory_space<hbm>> -> memref<80x125xi32, #tpu.memory_space<hbm>>
      tpu.enqueue_dma source(%dma_start3A_49 : memref<80x125xi32, #tpu.memory_space<hbm>>) target(%arg7 : memref<80x125xi32, #tpu.memory_space<vmem>>) target_semaphore(%run_scoped3A : memref<!tpu.dma_semaphore, #tpu.memory_space<semaphore_mem>>)
      %dma_wait3A = arith.constant 0 : i32
      %dma_wait3A_50 = tpu.memref_slice %arg2[%mul3A_6, %dma_wait3A] : memref<2560x125xi32, #tpu.memory_space<hbm>> -> memref<80x125xi32, #tpu.memory_space<hbm>>
      %dma_wait3A_51 = arith.constant 0 : i32
      %dma_wait3A_52 = tpu.memref_slice %arg2[%mul3A_6, %dma_wait3A_51] : memref<2560x125xi32, #tpu.memory_space<hbm>> -> memref<80x125xi32, #tpu.memory_space<hbm>>
      tpu.wait_dma2 semaphore(%run_scoped3A : memref<!tpu.dma_semaphore, #tpu.memory_space<semaphore_mem>>) src(%dma_wait3A_52 : memref<80x125xi32, #tpu.memory_space<hbm>>) dst(%arg7 : memref<80x125xi32, #tpu.memory_space<vmem>>)
      tpu.yield
    }) : () -> ()
    %mul3A_7 = arith.constant 80 : i32
    %mul3A_8 = arith.muli %add3A, %mul3A_7 : i32
    "tpu.region"() ({
      %run_scoped3A = tpu.sem_alloc : memref<!tpu.dma_semaphore, #tpu.memory_space<semaphore_mem>>
      %dma_start3A_46 = arith.constant 0 : i32
      %dma_start3A_47 = tpu.memref_slice %arg3[%mul3A_8, %dma_start3A_46] : memref<2560x125xi32, #tpu.memory_space<hbm>> -> memref<80x125xi32, #tpu.memory_space<hbm>>
      %dma_start3A_48 = arith.constant 0 : i32
      %dma_start3A_49 = tpu.memref_slice %arg3[%mul3A_8, %dma_start3A_48] : memref<2560x125xi32, #tpu.memory_space<hbm>> -> memref<80x125xi32, #tpu.memory_space<hbm>>
      tpu.enqueue_dma source(%dma_start3A_49 : memref<80x125xi32, #tpu.memory_space<hbm>>) target(%arg8 : memref<80x125xi32, #tpu.memory_space<vmem>>) target_semaphore(%run_scoped3A : memref<!tpu.dma_semaphore, #tpu.memory_space<semaphore_mem>>)
      %dma_wait3A = arith.constant 0 : i32
      %dma_wait3A_50 = tpu.memref_slice %arg3[%mul3A_8, %dma_wait3A] : memref<2560x125xi32, #tpu.memory_space<hbm>> -> memref<80x125xi32, #tpu.memory_space<hbm>>
      %dma_wait3A_51 = arith.constant 0 : i32
      %dma_wait3A_52 = tpu.memref_slice %arg3[%mul3A_8, %dma_wait3A_51] : memref<2560x125xi32, #tpu.memory_space<hbm>> -> memref<80x125xi32, #tpu.memory_space<hbm>>
      tpu.wait_dma2 semaphore(%run_scoped3A : memref<!tpu.dma_semaphore, #tpu.memory_space<semaphore_mem>>) src(%dma_wait3A_52 : memref<80x125xi32, #tpu.memory_space<hbm>>) dst(%arg8 : memref<80x125xi32, #tpu.memory_space<vmem>>)
      tpu.yield
    }) : () -> ()
    %barrier3A = arith.constant 0 : index
    tpu.barrier barrier_id(%barrier3A)
    %dma_start3A = arith.constant 0 : i32
    %dma_start3A_9 = arith.constant 0 : i32
    %dma_start3A_10 = tpu.memref_slice %arg7[%dma_start3A, %dma_start3A_9] : memref<80x125xi32, #tpu.memory_space<vmem>> -> memref<1x125xi32, #tpu.memory_space<vmem>>
    %dma_start3A_11 = tpu.memref_squeeze %dma_start3A_10 : memref<1x125xi32, #tpu.memory_space<vmem>> -> memref<125xi32, #tpu.memory_space<vmem>>
    %dma_start3A_12 = arith.constant 0 : i32
    %dma_start3A_13 = arith.constant 0 : i32
    %dma_start3A_14 = tpu.memref_slice %arg4[%dma_start3A_12, %dma_start3A_13] : memref<10000x64xf32, #tpu.memory_space<hbm>> -> memref<10000x64xf32, #tpu.memory_space<hbm>>
    tpu.enqueue_indirect_dma source(%dma_start3A_14 : memref<10000x64xf32, #tpu.memory_space<hbm>>) target(%arg9 : memref<125x64xf32, #tpu.memory_space<vmem>>) offsets(%dma_start3A_11 : memref<125xi32, #tpu.memory_space<vmem>>) semaphore(%arg14 : memref<!tpu.dma_semaphore, #tpu.memory_space<semaphore_mem>>)
    %dma_start3A_15 = arith.constant 1 : i32
    %dma_start3A_16 = arith.constant 0 : i32
    %dma_start3A_17 = tpu.memref_slice %arg7[%dma_start3A_15, %dma_start3A_16] : memref<80x125xi32, #tpu.memory_space<vmem>> -> memref<1x125xi32, #tpu.memory_space<vmem>>
    %dma_start3A_18 = tpu.memref_squeeze %dma_start3A_17 : memref<1x125xi32, #tpu.memory_space<vmem>> -> memref<125xi32, #tpu.memory_space<vmem>>
    %dma_start3A_19 = arith.constant 0 : i32
    %dma_start3A_20 = arith.constant 0 : i32
    %dma_start3A_21 = tpu.memref_slice %arg4[%dma_start3A_19, %dma_start3A_20] : memref<10000x64xf32, #tpu.memory_space<hbm>> -> memref<10000x64xf32, #tpu.memory_space<hbm>>
    tpu.enqueue_indirect_dma source(%dma_start3A_21 : memref<10000x64xf32, #tpu.memory_space<hbm>>) target(%arg10 : memref<125x64xf32, #tpu.memory_space<vmem>>) offsets(%dma_start3A_18 : memref<125xi32, #tpu.memory_space<vmem>>) semaphore(%arg15 : memref<!tpu.dma_semaphore, #tpu.memory_space<semaphore_mem>>)
    %dma_start3A_22 = arith.constant 2 : i32
    %dma_start3A_23 = arith.constant 0 : i32
    %dma_start3A_24 = tpu.memref_slice %arg7[%dma_start3A_22, %dma_start3A_23] : memref<80x125xi32, #tpu.memory_space<vmem>> -> memref<1x125xi32, #tpu.memory_space<vmem>>
    %dma_start3A_25 = tpu.memref_squeeze %dma_start3A_24 : memref<1x125xi32, #tpu.memory_space<vmem>> -> memref<125xi32, #tpu.memory_space<vmem>>
    %dma_start3A_26 = arith.constant 0 : i32
    %dma_start3A_27 = arith.constant 0 : i32
    %dma_start3A_28 = tpu.memref_slice %arg4[%dma_start3A_26, %dma_start3A_27] : memref<10000x64xf32, #tpu.memory_space<hbm>> -> memref<10000x64xf32, #tpu.memory_space<hbm>>
    tpu.enqueue_indirect_dma source(%dma_start3A_28 : memref<10000x64xf32, #tpu.memory_space<hbm>>) target(%arg11 : memref<125x64xf32, #tpu.memory_space<vmem>>) offsets(%dma_start3A_25 : memref<125xi32, #tpu.memory_space<vmem>>) semaphore(%arg16 : memref<!tpu.dma_semaphore, #tpu.memory_space<semaphore_mem>>)
    %dma_start3A_29 = arith.constant 3 : i32
    %dma_start3A_30 = arith.constant 0 : i32
    %dma_start3A_31 = tpu.memref_slice %arg7[%dma_start3A_29, %dma_start3A_30] : memref<80x125xi32, #tpu.memory_space<vmem>> -> memref<1x125xi32, #tpu.memory_space<vmem>>
    %dma_start3A_32 = tpu.memref_squeeze %dma_start3A_31 : memref<1x125xi32, #tpu.memory_space<vmem>> -> memref<125xi32, #tpu.memory_space<vmem>>
    %dma_start3A_33 = arith.constant 0 : i32
    %dma_start3A_34 = arith.constant 0 : i32
    %dma_start3A_35 = tpu.memref_slice %arg4[%dma_start3A_33, %dma_start3A_34] : memref<10000x64xf32, #tpu.memory_space<hbm>> -> memref<10000x64xf32, #tpu.memory_space<hbm>>
    tpu.enqueue_indirect_dma source(%dma_start3A_35 : memref<10000x64xf32, #tpu.memory_space<hbm>>) target(%arg12 : memref<125x64xf32, #tpu.memory_space<vmem>>) offsets(%dma_start3A_32 : memref<125xi32, #tpu.memory_space<vmem>>) semaphore(%arg17 : memref<!tpu.dma_semaphore, #tpu.memory_space<semaphore_mem>>)
    %scan3A = arith.constant 0 : i32
    %scan3A_36 = arith.constant 0 : i32
    %scan3A_37 = arith.constant 20 : i32
    %scan3A_38 = arith.addi %scan3A_36, %scan3A_37 : i32
    %scan3A_39 = arith.constant 1 : i32
    scf.for %scan3A_46 = %scan3A_36 to %scan3A_38 step %scan3A_39  : i32 {
      %mul3A_47 = arith.constant 4 : i32
      %mul3A_48 = arith.muli %scan3A_46, %mul3A_47 : i32
      %add3A_49 = arith.constant 0 : i32
      %add3A_50 = arith.addi %mul3A_48, %add3A_49 : i32
      %dma_wait3A = arith.constant 0 : i32
      %dma_wait3A_51 = arith.constant 0 : i32
      %dma_wait3A_52 = tpu.memref_slice %arg4[%dma_wait3A, %dma_wait3A_51] : memref<10000x64xf32, #tpu.memory_space<hbm>> -> memref<125x64xf32, #tpu.memory_space<hbm>>
      %dma_wait3A_53 = arith.constant 0 : i32
      %dma_wait3A_54 = arith.constant 0 : i32
      %dma_wait3A_55 = tpu.memref_slice %arg4[%dma_wait3A_53, %dma_wait3A_54] : memref<10000x64xf32, #tpu.memory_space<hbm>> -> memref<125x64xf32, #tpu.memory_space<hbm>>
      tpu.wait_dma2 semaphore(%arg14 : memref<!tpu.dma_semaphore, #tpu.memory_space<semaphore_mem>>) src(%dma_wait3A_55 : memref<125x64xf32, #tpu.memory_space<hbm>>) dst(%arg9 : memref<125x64xf32, #tpu.memory_space<vmem>>)
      "tpu.region"() ({
        %run_scoped3A = tpu.sem_alloc : memref<!tpu.dma_semaphore, #tpu.memory_space<semaphore_mem>>
        %dma_start3A_111 = arith.constant 0 : i32
        %dma_start3A_112 = tpu.memref_slice %arg8[%add3A_50, %dma_start3A_111] : memref<80x125xi32, #tpu.memory_space<vmem>> -> memref<1x125xi32, #tpu.memory_space<vmem>>
        %dma_start3A_113 = tpu.memref_squeeze %dma_start3A_112 : memref<1x125xi32, #tpu.memory_space<vmem>> -> memref<125xi32, #tpu.memory_space<vmem>>
        %dma_start3A_114 = arith.constant 0 : i32
        %dma_start3A_115 = arith.constant 0 : i32
        %dma_start3A_116 = tpu.memref_slice %arg13[%dma_start3A_114, %dma_start3A_115] : memref<10000x64xf32, #tpu.memory_space<vmem_shared>> -> memref<10000x64xf32, #tpu.memory_space<vmem_shared>>
        tpu.enqueue_indirect_dma source(%arg9 : memref<125x64xf32, #tpu.memory_space<vmem>>) target(%dma_start3A_116 : memref<10000x64xf32, #tpu.memory_space<vmem_shared>>) offsets(%dma_start3A_113 : memref<125xi32, #tpu.memory_space<vmem>>) semaphore(%run_scoped3A : memref<!tpu.dma_semaphore, #tpu.memory_space<semaphore_mem>>) {add = true}
        %dma_wait3A_117 = arith.constant 0 : i32
        %dma_wait3A_118 = tpu.memref_slice %arg8[%add3A_50, %dma_wait3A_117] : memref<80x125xi32, #tpu.memory_space<vmem>> -> memref<1x125xi32, #tpu.memory_space<vmem>>
        %dma_wait3A_119 = tpu.memref_squeeze %dma_wait3A_118 : memref<1x125xi32, #tpu.memory_space<vmem>> -> memref<125xi32, #tpu.memory_space<vmem>>
        %dma_wait3A_120 = arith.constant 0 : i32
        %dma_wait3A_121 = arith.constant 0 : i32
        %dma_wait3A_122 = tpu.memref_slice %arg13[%dma_wait3A_120, %dma_wait3A_121] : memref<10000x64xf32, #tpu.memory_space<vmem_shared>> -> memref<10000x64xf32, #tpu.memory_space<vmem_shared>>
        tpu.wait_indirect_dma semaphore(%run_scoped3A : memref<!tpu.dma_semaphore, #tpu.memory_space<semaphore_mem>>) src(%arg9 : memref<125x64xf32, #tpu.memory_space<vmem>>) dst(%dma_wait3A_122 : memref<10000x64xf32, #tpu.memory_space<vmem_shared>>)
        tpu.yield
      }) : () -> ()
      %add3A_56 = arith.constant 4 : i32
      %add3A_57 = arith.addi %add3A_50, %add3A_56 : i32
      %lt3A = arith.constant 80 : i32
      %lt3A_58 = arith.cmpi slt, %add3A_57, %lt3A : i32
      %convert_element_type3A = arith.extui %lt3A_58 : i1 to i32
      %cond3A = arith.constant 0 : i32
      %cond3A_59 = arith.cmpi ne, %convert_element_type3A, %cond3A : i32
      scf.if %cond3A_59 {
        %add3A_111 = arith.constant 4 : i32
        %add3A_112 = arith.addi %add3A_50, %add3A_111 : i32
        %dma_start3A_113 = arith.constant 0 : i32
        %dma_start3A_114 = tpu.memref_slice %arg7[%add3A_112, %dma_start3A_113] : memref<80x125xi32, #tpu.memory_space<vmem>> -> memref<1x125xi32, #tpu.memory_space<vmem>>
        %dma_start3A_115 = tpu.memref_squeeze %dma_start3A_114 : memref<1x125xi32, #tpu.memory_space<vmem>> -> memref<125xi32, #tpu.memory_space<vmem>>
        %dma_start3A_116 = arith.constant 0 : i32
        %dma_start3A_117 = arith.constant 0 : i32
        %dma_start3A_118 = tpu.memref_slice %arg4[%dma_start3A_116, %dma_start3A_117] : memref<10000x64xf32, #tpu.memory_space<hbm>> -> memref<10000x64xf32, #tpu.memory_space<hbm>>
        tpu.enqueue_indirect_dma source(%dma_start3A_118 : memref<10000x64xf32, #tpu.memory_space<hbm>>) target(%arg9 : memref<125x64xf32, #tpu.memory_space<vmem>>) offsets(%dma_start3A_115 : memref<125xi32, #tpu.memory_space<vmem>>) semaphore(%arg14 : memref<!tpu.dma_semaphore, #tpu.memory_space<semaphore_mem>>)
      } else {
      }
      %mul3A_60 = arith.constant 4 : i32
      %mul3A_61 = arith.muli %scan3A_46, %mul3A_60 : i32
      %add3A_62 = arith.constant 1 : i32
      %add3A_63 = arith.addi %mul3A_61, %add3A_62 : i32
      %dma_wait3A_64 = arith.constant 0 : i32
      %dma_wait3A_65 = arith.constant 0 : i32
      %dma_wait3A_66 = tpu.memref_slice %arg4[%dma_wait3A_64, %dma_wait3A_65] : memref<10000x64xf32, #tpu.memory_space<hbm>> -> memref<125x64xf32, #tpu.memory_space<hbm>>
      %dma_wait3A_67 = arith.constant 0 : i32
      %dma_wait3A_68 = arith.constant 0 : i32
      %dma_wait3A_69 = tpu.memref_slice %arg4[%dma_wait3A_67, %dma_wait3A_68] : memref<10000x64xf32, #tpu.memory_space<hbm>> -> memref<125x64xf32, #tpu.memory_space<hbm>>
      tpu.wait_dma2 semaphore(%arg15 : memref<!tpu.dma_semaphore, #tpu.memory_space<semaphore_mem>>) src(%dma_wait3A_69 : memref<125x64xf32, #tpu.memory_space<hbm>>) dst(%arg10 : memref<125x64xf32, #tpu.memory_space<vmem>>)
      "tpu.region"() ({
        %run_scoped3A = tpu.sem_alloc : memref<!tpu.dma_semaphore, #tpu.memory_space<semaphore_mem>>
        %dma_start3A_111 = arith.constant 0 : i32
        %dma_start3A_112 = tpu.memref_slice %arg8[%add3A_63, %dma_start3A_111] : memref<80x125xi32, #tpu.memory_space<vmem>> -> memref<1x125xi32, #tpu.memory_space<vmem>>
        %dma_start3A_113 = tpu.memref_squeeze %dma_start3A_112 : memref<1x125xi32, #tpu.memory_space<vmem>> -> memref<125xi32, #tpu.memory_space<vmem>>
        %dma_start3A_114 = arith.constant 0 : i32
        %dma_start3A_115 = arith.constant 0 : i32
        %dma_start3A_116 = tpu.memref_slice %arg13[%dma_start3A_114, %dma_start3A_115] : memref<10000x64xf32, #tpu.memory_space<vmem_shared>> -> memref<10000x64xf32, #tpu.memory_space<vmem_shared>>
        tpu.enqueue_indirect_dma source(%arg10 : memref<125x64xf32, #tpu.memory_space<vmem>>) target(%dma_start3A_116 : memref<10000x64xf32, #tpu.memory_space<vmem_shared>>) offsets(%dma_start3A_113 : memref<125xi32, #tpu.memory_space<vmem>>) semaphore(%run_scoped3A : memref<!tpu.dma_semaphore, #tpu.memory_space<semaphore_mem>>) {add = true}
        %dma_wait3A_117 = arith.constant 0 : i32
        %dma_wait3A_118 = tpu.memref_slice %arg8[%add3A_63, %dma_wait3A_117] : memref<80x125xi32, #tpu.memory_space<vmem>> -> memref<1x125xi32, #tpu.memory_space<vmem>>
        %dma_wait3A_119 = tpu.memref_squeeze %dma_wait3A_118 : memref<1x125xi32, #tpu.memory_space<vmem>> -> memref<125xi32, #tpu.memory_space<vmem>>
        %dma_wait3A_120 = arith.constant 0 : i32
        %dma_wait3A_121 = arith.constant 0 : i32
        %dma_wait3A_122 = tpu.memref_slice %arg13[%dma_wait3A_120, %dma_wait3A_121] : memref<10000x64xf32, #tpu.memory_space<vmem_shared>> -> memref<10000x64xf32, #tpu.memory_space<vmem_shared>>
        tpu.wait_indirect_dma semaphore(%run_scoped3A : memref<!tpu.dma_semaphore, #tpu.memory_space<semaphore_mem>>) src(%arg10 : memref<125x64xf32, #tpu.memory_space<vmem>>) dst(%dma_wait3A_122 : memref<10000x64xf32, #tpu.memory_space<vmem_shared>>)
        tpu.yield
      }) : () -> ()
      %add3A_70 = arith.constant 4 : i32
      %add3A_71 = arith.addi %add3A_63, %add3A_70 : i32
      %lt3A_72 = arith.constant 80 : i32
      %lt3A_73 = arith.cmpi slt, %add3A_71, %lt3A_72 : i32
      %convert_element_type3A_74 = arith.extui %lt3A_73 : i1 to i32
      %cond3A_75 = arith.constant 0 : i32
      %cond3A_76 = arith.cmpi ne, %convert_element_type3A_74, %cond3A_75 : i32
      scf.if %cond3A_76 {
        %add3A_111 = arith.constant 4 : i32
        %add3A_112 = arith.addi %add3A_63, %add3A_111 : i32
        %dma_start3A_113 = arith.constant 0 : i32
        %dma_start3A_114 = tpu.memref_slice %arg7[%add3A_112, %dma_start3A_113] : memref<80x125xi32, #tpu.memory_space<vmem>> -> memref<1x125xi32, #tpu.memory_space<vmem>>
        %dma_start3A_115 = tpu.memref_squeeze %dma_start3A_114 : memref<1x125xi32, #tpu.memory_space<vmem>> -> memref<125xi32, #tpu.memory_space<vmem>>
        %dma_start3A_116 = arith.constant 0 : i32
        %dma_start3A_117 = arith.constant 0 : i32
        %dma_start3A_118 = tpu.memref_slice %arg4[%dma_start3A_116, %dma_start3A_117] : memref<10000x64xf32, #tpu.memory_space<hbm>> -> memref<10000x64xf32, #tpu.memory_space<hbm>>
        tpu.enqueue_indirect_dma source(%dma_start3A_118 : memref<10000x64xf32, #tpu.memory_space<hbm>>) target(%arg10 : memref<125x64xf32, #tpu.memory_space<vmem>>) offsets(%dma_start3A_115 : memref<125xi32, #tpu.memory_space<vmem>>) semaphore(%arg15 : memref<!tpu.dma_semaphore, #tpu.memory_space<semaphore_mem>>)
      } else {
      }
      %mul3A_77 = arith.constant 4 : i32
      %mul3A_78 = arith.muli %scan3A_46, %mul3A_77 : i32
      %add3A_79 = arith.constant 2 : i32
      %add3A_80 = arith.addi %mul3A_78, %add3A_79 : i32
      %dma_wait3A_81 = arith.constant 0 : i32
      %dma_wait3A_82 = arith.constant 0 : i32
      %dma_wait3A_83 = tpu.memref_slice %arg4[%dma_wait3A_81, %dma_wait3A_82] : memref<10000x64xf32, #tpu.memory_space<hbm>> -> memref<125x64xf32, #tpu.memory_space<hbm>>
      %dma_wait3A_84 = arith.constant 0 : i32
      %dma_wait3A_85 = arith.constant 0 : i32
      %dma_wait3A_86 = tpu.memref_slice %arg4[%dma_wait3A_84, %dma_wait3A_85] : memref<10000x64xf32, #tpu.memory_space<hbm>> -> memref<125x64xf32, #tpu.memory_space<hbm>>
      tpu.wait_dma2 semaphore(%arg16 : memref<!tpu.dma_semaphore, #tpu.memory_space<semaphore_mem>>) src(%dma_wait3A_86 : memref<125x64xf32, #tpu.memory_space<hbm>>) dst(%arg11 : memref<125x64xf32, #tpu.memory_space<vmem>>)
      "tpu.region"() ({
        %run_scoped3A = tpu.sem_alloc : memref<!tpu.dma_semaphore, #tpu.memory_space<semaphore_mem>>
        %dma_start3A_111 = arith.constant 0 : i32
        %dma_start3A_112 = tpu.memref_slice %arg8[%add3A_80, %dma_start3A_111] : memref<80x125xi32, #tpu.memory_space<vmem>> -> memref<1x125xi32, #tpu.memory_space<vmem>>
        %dma_start3A_113 = tpu.memref_squeeze %dma_start3A_112 : memref<1x125xi32, #tpu.memory_space<vmem>> -> memref<125xi32, #tpu.memory_space<vmem>>
        %dma_start3A_114 = arith.constant 0 : i32
        %dma_start3A_115 = arith.constant 0 : i32
        %dma_start3A_116 = tpu.memref_slice %arg13[%dma_start3A_114, %dma_start3A_115] : memref<10000x64xf32, #tpu.memory_space<vmem_shared>> -> memref<10000x64xf32, #tpu.memory_space<vmem_shared>>
        tpu.enqueue_indirect_dma source(%arg11 : memref<125x64xf32, #tpu.memory_space<vmem>>) target(%dma_start3A_116 : memref<10000x64xf32, #tpu.memory_space<vmem_shared>>) offsets(%dma_start3A_113 : memref<125xi32, #tpu.memory_space<vmem>>) semaphore(%run_scoped3A : memref<!tpu.dma_semaphore, #tpu.memory_space<semaphore_mem>>) {add = true}
        %dma_wait3A_117 = arith.constant 0 : i32
        %dma_wait3A_118 = tpu.memref_slice %arg8[%add3A_80, %dma_wait3A_117] : memref<80x125xi32, #tpu.memory_space<vmem>> -> memref<1x125xi32, #tpu.memory_space<vmem>>
        %dma_wait3A_119 = tpu.memref_squeeze %dma_wait3A_118 : memref<1x125xi32, #tpu.memory_space<vmem>> -> memref<125xi32, #tpu.memory_space<vmem>>
        %dma_wait3A_120 = arith.constant 0 : i32
        %dma_wait3A_121 = arith.constant 0 : i32
        %dma_wait3A_122 = tpu.memref_slice %arg13[%dma_wait3A_120, %dma_wait3A_121] : memref<10000x64xf32, #tpu.memory_space<vmem_shared>> -> memref<10000x64xf32, #tpu.memory_space<vmem_shared>>
        tpu.wait_indirect_dma semaphore(%run_scoped3A : memref<!tpu.dma_semaphore, #tpu.memory_space<semaphore_mem>>) src(%arg11 : memref<125x64xf32, #tpu.memory_space<vmem>>) dst(%dma_wait3A_122 : memref<10000x64xf32, #tpu.memory_space<vmem_shared>>)
        tpu.yield
      }) : () -> ()
      %add3A_87 = arith.constant 4 : i32
      %add3A_88 = arith.addi %add3A_80, %add3A_87 : i32
      %lt3A_89 = arith.constant 80 : i32
      %lt3A_90 = arith.cmpi slt, %add3A_88, %lt3A_89 : i32
      %convert_element_type3A_91 = arith.extui %lt3A_90 : i1 to i32
      %cond3A_92 = arith.constant 0 : i32
      %cond3A_93 = arith.cmpi ne, %convert_element_type3A_91, %cond3A_92 : i32
      scf.if %cond3A_93 {
        %add3A_111 = arith.constant 4 : i32
        %add3A_112 = arith.addi %add3A_80, %add3A_111 : i32
        %dma_start3A_113 = arith.constant 0 : i32
        %dma_start3A_114 = tpu.memref_slice %arg7[%add3A_112, %dma_start3A_113] : memref<80x125xi32, #tpu.memory_space<vmem>> -> memref<1x125xi32, #tpu.memory_space<vmem>>
        %dma_start3A_115 = tpu.memref_squeeze %dma_start3A_114 : memref<1x125xi32, #tpu.memory_space<vmem>> -> memref<125xi32, #tpu.memory_space<vmem>>
        %dma_start3A_116 = arith.constant 0 : i32
        %dma_start3A_117 = arith.constant 0 : i32
        %dma_start3A_118 = tpu.memref_slice %arg4[%dma_start3A_116, %dma_start3A_117] : memref<10000x64xf32, #tpu.memory_space<hbm>> -> memref<10000x64xf32, #tpu.memory_space<hbm>>
        tpu.enqueue_indirect_dma source(%dma_start3A_118 : memref<10000x64xf32, #tpu.memory_space<hbm>>) target(%arg11 : memref<125x64xf32, #tpu.memory_space<vmem>>) offsets(%dma_start3A_115 : memref<125xi32, #tpu.memory_space<vmem>>) semaphore(%arg16 : memref<!tpu.dma_semaphore, #tpu.memory_space<semaphore_mem>>)
      } else {
      }
      %mul3A_94 = arith.constant 4 : i32
      %mul3A_95 = arith.muli %scan3A_46, %mul3A_94 : i32
      %add3A_96 = arith.constant 3 : i32
      %add3A_97 = arith.addi %mul3A_95, %add3A_96 : i32
      %dma_wait3A_98 = arith.constant 0 : i32
      %dma_wait3A_99 = arith.constant 0 : i32
      %dma_wait3A_100 = tpu.memref_slice %arg4[%dma_wait3A_98, %dma_wait3A_99] : memref<10000x64xf32, #tpu.memory_space<hbm>> -> memref<125x64xf32, #tpu.memory_space<hbm>>
      %dma_wait3A_101 = arith.constant 0 : i32
      %dma_wait3A_102 = arith.constant 0 : i32
      %dma_wait3A_103 = tpu.memref_slice %arg4[%dma_wait3A_101, %dma_wait3A_102] : memref<10000x64xf32, #tpu.memory_space<hbm>> -> memref<125x64xf32, #tpu.memory_space<hbm>>
      tpu.wait_dma2 semaphore(%arg17 : memref<!tpu.dma_semaphore, #tpu.memory_space<semaphore_mem>>) src(%dma_wait3A_103 : memref<125x64xf32, #tpu.memory_space<hbm>>) dst(%arg12 : memref<125x64xf32, #tpu.memory_space<vmem>>)
      "tpu.region"() ({
        %run_scoped3A = tpu.sem_alloc : memref<!tpu.dma_semaphore, #tpu.memory_space<semaphore_mem>>
        %dma_start3A_111 = arith.constant 0 : i32
        %dma_start3A_112 = tpu.memref_slice %arg8[%add3A_97, %dma_start3A_111] : memref<80x125xi32, #tpu.memory_space<vmem>> -> memref<1x125xi32, #tpu.memory_space<vmem>>
        %dma_start3A_113 = tpu.memref_squeeze %dma_start3A_112 : memref<1x125xi32, #tpu.memory_space<vmem>> -> memref<125xi32, #tpu.memory_space<vmem>>
        %dma_start3A_114 = arith.constant 0 : i32
        %dma_start3A_115 = arith.constant 0 : i32
        %dma_start3A_116 = tpu.memref_slice %arg13[%dma_start3A_114, %dma_start3A_115] : memref<10000x64xf32, #tpu.memory_space<vmem_shared>> -> memref<10000x64xf32, #tpu.memory_space<vmem_shared>>
        tpu.enqueue_indirect_dma source(%arg12 : memref<125x64xf32, #tpu.memory_space<vmem>>) target(%dma_start3A_116 : memref<10000x64xf32, #tpu.memory_space<vmem_shared>>) offsets(%dma_start3A_113 : memref<125xi32, #tpu.memory_space<vmem>>) semaphore(%run_scoped3A : memref<!tpu.dma_semaphore, #tpu.memory_space<semaphore_mem>>) {add = true}
        %dma_wait3A_117 = arith.constant 0 : i32
        %dma_wait3A_118 = tpu.memref_slice %arg8[%add3A_97, %dma_wait3A_117] : memref<80x125xi32, #tpu.memory_space<vmem>> -> memref<1x125xi32, #tpu.memory_space<vmem>>
        %dma_wait3A_119 = tpu.memref_squeeze %dma_wait3A_118 : memref<1x125xi32, #tpu.memory_space<vmem>> -> memref<125xi32, #tpu.memory_space<vmem>>
        %dma_wait3A_120 = arith.constant 0 : i32
        %dma_wait3A_121 = arith.constant 0 : i32
        %dma_wait3A_122 = tpu.memref_slice %arg13[%dma_wait3A_120, %dma_wait3A_121] : memref<10000x64xf32, #tpu.memory_space<vmem_shared>> -> memref<10000x64xf32, #tpu.memory_space<vmem_shared>>
        tpu.wait_indirect_dma semaphore(%run_scoped3A : memref<!tpu.dma_semaphore, #tpu.memory_space<semaphore_mem>>) src(%arg12 : memref<125x64xf32, #tpu.memory_space<vmem>>) dst(%dma_wait3A_122 : memref<10000x64xf32, #tpu.memory_space<vmem_shared>>)
        tpu.yield
      }) : () -> ()
      %add3A_104 = arith.constant 4 : i32
      %add3A_105 = arith.addi %add3A_97, %add3A_104 : i32
      %lt3A_106 = arith.constant 80 : i32
      %lt3A_107 = arith.cmpi slt, %add3A_105, %lt3A_106 : i32
      %convert_element_type3A_108 = arith.extui %lt3A_107 : i1 to i32
      %cond3A_109 = arith.constant 0 : i32
      %cond3A_110 = arith.cmpi ne, %convert_element_type3A_108, %cond3A_109 : i32
      scf.if %cond3A_110 {
        %add3A_111 = arith.constant 4 : i32
        %add3A_112 = arith.addi %add3A_97, %add3A_111 : i32
        %dma_start3A_113 = arith.constant 0 : i32
        %dma_start3A_114 = tpu.memref_slice %arg7[%add3A_112, %dma_start3A_113] : memref<80x125xi32, #tpu.memory_space<vmem>> -> memref<1x125xi32, #tpu.memory_space<vmem>>
        %dma_start3A_115 = tpu.memref_squeeze %dma_start3A_114 : memref<1x125xi32, #tpu.memory_space<vmem>> -> memref<125xi32, #tpu.memory_space<vmem>>
        %dma_start3A_116 = arith.constant 0 : i32
        %dma_start3A_117 = arith.constant 0 : i32
        %dma_start3A_118 = tpu.memref_slice %arg4[%dma_start3A_116, %dma_start3A_117] : memref<10000x64xf32, #tpu.memory_space<hbm>> -> memref<10000x64xf32, #tpu.memory_space<hbm>>
        tpu.enqueue_indirect_dma source(%dma_start3A_118 : memref<10000x64xf32, #tpu.memory_space<hbm>>) target(%arg12 : memref<125x64xf32, #tpu.memory_space<vmem>>) offsets(%dma_start3A_115 : memref<125xi32, #tpu.memory_space<vmem>>) semaphore(%arg17 : memref<!tpu.dma_semaphore, #tpu.memory_space<semaphore_mem>>)
      } else {
      }
    }
    %scan3A_40 = arith.constant 20 : i32
    %barrier3A_41 = arith.constant 0 : index
    tpu.barrier barrier_id(%barrier3A_41)
    %mul3A_42 = arith.constant 625 : i32
    %mul3A_43 = arith.muli %arg1, %mul3A_42 : i32
    %mul3A_44 = arith.constant 625 : i32
    %mul3A_45 = arith.muli %arg1, %mul3A_44 : i32
    "tpu.region"() ({
      %run_scoped3A = tpu.sem_alloc : memref<!tpu.dma_semaphore, #tpu.memory_space<semaphore_mem>>
      %dma_start3A_46 = arith.constant 0 : i32
      %dma_start3A_47 = tpu.memref_slice %arg6[%arg0, %mul3A_45, %dma_start3A_46] : memref<2x10000x64xf32, #tpu.memory_space<hbm>> -> memref<1x625x64xf32, #tpu.memory_space<hbm>>
      %dma_start3A_48 = tpu.memref_squeeze %dma_start3A_47 : memref<1x625x64xf32, #tpu.memory_space<hbm>> -> memref<625x64xf32, #tpu.memory_space<hbm>>
      %dma_start3A_49 = arith.constant 0 : i32
      %dma_start3A_50 = tpu.memref_slice %arg13[%mul3A_43, %dma_start3A_49] : memref<10000x64xf32, #tpu.memory_space<vmem_shared>> -> memref<625x64xf32, #tpu.memory_space<vmem_shared>>
      tpu.enqueue_dma source(%dma_start3A_50 : memref<625x64xf32, #tpu.memory_space<vmem_shared>>) target(%dma_start3A_48 : memref<625x64xf32, #tpu.memory_space<hbm>>) target_semaphore(%run_scoped3A : memref<!tpu.dma_semaphore, #tpu.memory_space<semaphore_mem>>)
      %dma_wait3A = arith.constant 0 : i32
      %dma_wait3A_51 = tpu.memref_slice %arg6[%arg0, %mul3A_45, %dma_wait3A] : memref<2x10000x64xf32, #tpu.memory_space<hbm>> -> memref<1x625x64xf32, #tpu.memory_space<hbm>>
      %dma_wait3A_52 = tpu.memref_squeeze %dma_wait3A_51 : memref<1x625x64xf32, #tpu.memory_space<hbm>> -> memref<625x64xf32, #tpu.memory_space<hbm>>
      %dma_wait3A_53 = arith.constant 0 : i32
      %dma_wait3A_54 = tpu.memref_slice %arg13[%mul3A_43, %dma_wait3A_53] : memref<10000x64xf32, #tpu.memory_space<vmem_shared>> -> memref<625x64xf32, #tpu.memory_space<vmem_shared>>
      tpu.wait_dma2 semaphore(%run_scoped3A : memref<!tpu.dma_semaphore, #tpu.memory_space<semaphore_mem>>) src(%dma_wait3A_54 : memref<625x64xf32, #tpu.memory_space<vmem_shared>>) dst(%dma_wait3A_52 : memref<625x64xf32, #tpu.memory_space<hbm>>)
      tpu.yield
    }) : () -> ()
    return
  }
}

module attributes {stable_mosaic.version = 14 : i64} {
  func.func @_enc1_kernel(%arg0: memref<10000x128xf32, #tpu.memory_space<vmem>>, %arg1: memref<128x64xf32, #tpu.memory_space<vmem>>, %arg2: memref<2x10000x8xf32, #tpu.memory_space<vmem>>, %arg3: memref<10000x64xf32, #tpu.memory_space<vmem>>, %arg4: memref<10000x1xf32, #tpu.memory_space<vmem>>) attributes {dimension_semantics = [], scalar_prefetch = 0 : i64, scratch_operands = 0 : i64, tpu.core_type = #tpu.core_type<tc>} {
    %get3A = arith.constant 0 : index
    %get3A_0 = arith.constant 0 : index
    %get3A_1 = arith.constant 0 : index
    %get3A_2 = vector.load %arg2[%get3A, %get3A_0, %get3A_1] : memref<2x10000x8xf32, #tpu.memory_space<vmem>>, vector<1x10000x8xf32>
    %get3A_3 = vector.shape_cast %get3A_2 : vector<1x10000x8xf32> to vector<10000x8xf32>
    %reduce_sum3A = arith.constant dense<0.000000e+00> : vector<10000xf32>
    %reduce_sum3A_4 = vector.multi_reduction <add>, %get3A_3, %reduce_sum3A [1] : vector<10000x8xf32> to vector<10000xf32>
    %broadcast_in_dim3A = vector.shape_cast %reduce_sum3A_4 : vector<10000xf32> to vector<10000x1xf32>
    %get3A_5 = arith.constant 1 : index
    %get3A_6 = arith.constant 0 : index
    %get3A_7 = arith.constant 0 : index
    %get3A_8 = vector.load %arg2[%get3A_5, %get3A_6, %get3A_7] : memref<2x10000x8xf32, #tpu.memory_space<vmem>>, vector<1x10000x8xf32>
    %get3A_9 = vector.shape_cast %get3A_8 : vector<1x10000x8xf32> to vector<10000x8xf32>
    %reduce_sum3A_10 = arith.constant dense<0.000000e+00> : vector<10000xf32>
    %reduce_sum3A_11 = vector.multi_reduction <add>, %get3A_9, %reduce_sum3A_10 [1] : vector<10000x8xf32> to vector<10000xf32>
    %broadcast_in_dim3A_12 = vector.shape_cast %reduce_sum3A_11 : vector<10000xf32> to vector<10000x1xf32>
    %add3A = arith.addf %broadcast_in_dim3A, %broadcast_in_dim3A_12 : vector<10000x1xf32>
    %mul3A = arith.constant 1.250000e-01 : f32
    %mul3A_13 = vector.broadcast %mul3A : f32 to vector<10000x1xf32>
    %mul3A_14 = arith.mulf %add3A, %mul3A_13 : vector<10000x1xf32>
    %add3A_15 = arith.constant 1.000000e+00 : f32
    %add3A_16 = vector.broadcast %add3A_15 : f32 to vector<10000x1xf32>
    %add3A_17 = arith.addf %mul3A_14, %add3A_16 : vector<10000x1xf32>
    %rsqrt3A = math.rsqrt %add3A_17 : vector<10000x1xf32>
    %get3A_18 = arith.constant 0 : index
    %get3A_19 = arith.constant 0 : index
    %get3A_20 = vector.load %arg0[%get3A_18, %get3A_19] : memref<10000x128xf32, #tpu.memory_space<vmem>>, vector<10000x128xf32>
    %get3A_21 = arith.constant 0 : index
    %get3A_22 = arith.constant 0 : index
    %get3A_23 = vector.load %arg1[%get3A_21, %get3A_22] : memref<128x64xf32, #tpu.memory_space<vmem>>, vector<128x64xf32>
    %dot_general3A = arith.constant dense<0.000000e+00> : vector<10000x64xf32>
    %dot_general3A_24 = tpu.matmul %get3A_20, %get3A_23, %dot_general3A {dimension_numbers = #tpu.dot_dimension_numbers<[1], [0], [0], [1], [0, 0, 1, 1], [], []>, transpose_lhs_hint = false} : vector<10000x128xf32>, vector<128x64xf32>, vector<10000x64xf32> -> vector<10000x64xf32>
    %mul3A_25 = vector.broadcast %rsqrt3A : vector<10000x1xf32> to vector<10000x64xf32>
    %mul3A_26 = arith.mulf %dot_general3A_24, %mul3A_25 : vector<10000x64xf32>
    %swap3A = arith.constant 0 : index
    %swap3A_27 = arith.constant 0 : index
    %swap3A_28 = vector.load %arg3[%swap3A, %swap3A_27] : memref<10000x64xf32, #tpu.memory_space<vmem>>, vector<10000x64xf32>
    tpu.vector_store %arg3[%swap3A, %swap3A_27], %mul3A_26 {strides = array<i32>} : memref<10000x64xf32, #tpu.memory_space<vmem>>, vector<10000x64xf32>,
    %swap3A_29 = arith.constant 0 : index
    %swap3A_30 = arith.constant 0 : index
    %swap3A_31 = vector.load %arg4[%swap3A_29, %swap3A_30] : memref<10000x1xf32, #tpu.memory_space<vmem>>, vector<10000x1xf32>
    tpu.vector_store %arg4[%swap3A_29, %swap3A_30], %rsqrt3A {strides = array<i32>} : memref<10000x1xf32, #tpu.memory_space<vmem>>, vector<10000x1xf32>,
    return
  }
}

module attributes {stable_mosaic.version = 14 : i64} {
  func.func @_enc2_kernel(%arg0: memref<2x10000x64xf32, #tpu.memory_space<vmem>>, %arg1: memref<10000x64xf32, #tpu.memory_space<vmem>>, %arg2: memref<10000x1xf32, #tpu.memory_space<vmem>>, %arg3: memref<10000x64xf32, #tpu.memory_space<vmem>>, %arg4: memref<64x32xf32, #tpu.memory_space<vmem>>, %arg5: memref<10000x32xf32, #tpu.memory_space<vmem>>) attributes {dimension_semantics = [], scalar_prefetch = 0 : i64, scratch_operands = 0 : i64, tpu.core_type = #tpu.core_type<tc>} {
    %get3A = arith.constant 0 : index
    %get3A_0 = arith.constant 0 : index
    %get3A_1 = arith.constant 0 : index
    %get3A_2 = vector.load %arg0[%get3A, %get3A_0, %get3A_1] : memref<2x10000x64xf32, #tpu.memory_space<vmem>>, vector<1x10000x64xf32>
    %get3A_3 = vector.shape_cast %get3A_2 : vector<1x10000x64xf32> to vector<10000x64xf32>
    %get3A_4 = arith.constant 1 : index
    %get3A_5 = arith.constant 0 : index
    %get3A_6 = arith.constant 0 : index
    %get3A_7 = vector.load %arg0[%get3A_4, %get3A_5, %get3A_6] : memref<2x10000x64xf32, #tpu.memory_space<vmem>>, vector<1x10000x64xf32>
    %get3A_8 = vector.shape_cast %get3A_7 : vector<1x10000x64xf32> to vector<10000x64xf32>
    %add3A = arith.addf %get3A_3, %get3A_8 : vector<10000x64xf32>
    %get3A_9 = arith.constant 0 : index
    %get3A_10 = arith.constant 0 : index
    %get3A_11 = vector.load %arg1[%get3A_9, %get3A_10] : memref<10000x64xf32, #tpu.memory_space<vmem>>, vector<10000x64xf32>
    %add3A_12 = arith.addf %add3A, %get3A_11 : vector<10000x64xf32>
    %get3A_13 = arith.constant 0 : index
    %get3A_14 = arith.constant 0 : index
    %get3A_15 = vector.load %arg2[%get3A_13, %get3A_14] : memref<10000x1xf32, #tpu.memory_space<vmem>>, vector<10000x1xf32>
    %mul3A = vector.broadcast %get3A_15 : vector<10000x1xf32> to vector<10000x64xf32>
    %mul3A_16 = arith.mulf %add3A_12, %mul3A : vector<10000x64xf32>
    %max3A = arith.constant 0.000000e+00 : f32
    %max3A_17 = vector.broadcast %max3A : f32 to vector<10000x64xf32>
    %max3A_18 = arith.maximumf %mul3A_16, %max3A_17 : vector<10000x64xf32>
    %get3A_19 = arith.constant 0 : index
    %get3A_20 = arith.constant 0 : index
    %get3A_21 = vector.load %arg3[%get3A_19, %get3A_20] : memref<10000x64xf32, #tpu.memory_space<vmem>>, vector<10000x64xf32>
    %add3A_22 = arith.addf %max3A_18, %get3A_21 : vector<10000x64xf32>
    %get3A_23 = arith.constant 0 : index
    %get3A_24 = arith.constant 0 : index
    %get3A_25 = vector.load %arg4[%get3A_23, %get3A_24] : memref<64x32xf32, #tpu.memory_space<vmem>>, vector<64x32xf32>
    %dot_general3A = arith.constant dense<0.000000e+00> : vector<10000x32xf32>
    %dot_general3A_26 = tpu.matmul %add3A_22, %get3A_25, %dot_general3A {dimension_numbers = #tpu.dot_dimension_numbers<[1], [0], [0], [1], [0, 0, 1, 1], [], []>, transpose_lhs_hint = false} : vector<10000x64xf32>, vector<64x32xf32>, vector<10000x32xf32> -> vector<10000x32xf32>
    %get3A_27 = arith.constant 0 : index
    %get3A_28 = arith.constant 0 : index
    %get3A_29 = vector.load %arg2[%get3A_27, %get3A_28] : memref<10000x1xf32, #tpu.memory_space<vmem>>, vector<10000x1xf32>
    %mul3A_30 = vector.broadcast %get3A_29 : vector<10000x1xf32> to vector<10000x32xf32>
    %mul3A_31 = arith.mulf %dot_general3A_26, %mul3A_30 : vector<10000x32xf32>
    %swap3A = arith.constant 0 : index
    %swap3A_32 = arith.constant 0 : index
    %swap3A_33 = vector.load %arg5[%swap3A, %swap3A_32] : memref<10000x32xf32, #tpu.memory_space<vmem>>, vector<10000x32xf32>
    tpu.vector_store %arg5[%swap3A, %swap3A_32], %mul3A_31 {strides = array<i32>} : memref<10000x32xf32, #tpu.memory_space<vmem>>, vector<10000x32xf32>,
    return
  }
}

module attributes {stable_mosaic.version = 14 : i64} {
  func.func @_dec_prep_kernel(%arg0: memref<2x10000x32xf32, #tpu.memory_space<vmem>>, %arg1: memref<10000x32xf32, #tpu.memory_space<vmem>>, %arg2: memref<10000x1xf32, #tpu.memory_space<vmem>>, %arg3: memref<10000x1xf32, #tpu.memory_space<vmem>>, %arg4: memref<10000x32xf32, #tpu.memory_space<vmem>>, %arg5: memref<10000x1xf32, #tpu.memory_space<vmem>>, %arg6: memref<10000x1xf32, #tpu.memory_space<vmem>>) attributes {dimension_semantics = [], scalar_prefetch = 0 : i64, scratch_operands = 0 : i64, tpu.core_type = #tpu.core_type<tc>} {
    %get3A = arith.constant 0 : index
    %get3A_0 = arith.constant 0 : index
    %get3A_1 = arith.constant 0 : index
    %get3A_2 = vector.load %arg0[%get3A, %get3A_0, %get3A_1] : memref<2x10000x32xf32, #tpu.memory_space<vmem>>, vector<1x10000x32xf32>
    %get3A_3 = vector.shape_cast %get3A_2 : vector<1x10000x32xf32> to vector<10000x32xf32>
    %get3A_4 = arith.constant 1 : index
    %get3A_5 = arith.constant 0 : index
    %get3A_6 = arith.constant 0 : index
    %get3A_7 = vector.load %arg0[%get3A_4, %get3A_5, %get3A_6] : memref<2x10000x32xf32, #tpu.memory_space<vmem>>, vector<1x10000x32xf32>
    %get3A_8 = vector.shape_cast %get3A_7 : vector<1x10000x32xf32> to vector<10000x32xf32>
    %add3A = arith.addf %get3A_3, %get3A_8 : vector<10000x32xf32>
    %get3A_9 = arith.constant 0 : index
    %get3A_10 = arith.constant 0 : index
    %get3A_11 = vector.load %arg1[%get3A_9, %get3A_10] : memref<10000x32xf32, #tpu.memory_space<vmem>>, vector<10000x32xf32>
    %add3A_12 = arith.addf %add3A, %get3A_11 : vector<10000x32xf32>
    %get3A_13 = arith.constant 0 : index
    %get3A_14 = arith.constant 0 : index
    %get3A_15 = vector.load %arg2[%get3A_13, %get3A_14] : memref<10000x1xf32, #tpu.memory_space<vmem>>, vector<10000x1xf32>
    %mul3A = vector.broadcast %get3A_15 : vector<10000x1xf32> to vector<10000x32xf32>
    %mul3A_16 = arith.mulf %add3A_12, %mul3A : vector<10000x32xf32>
    %slice3A = vector.extract_strided_slice %mul3A_16 {offsets = [0, 31], sizes = [10000, 1], strides = [1, 1]} : vector<10000x32xf32> to vector<10000x1xf32>
    %get3A_17 = arith.constant 0 : index
    %get3A_18 = arith.constant 0 : index
    %get3A_19 = vector.load %arg3[%get3A_17, %get3A_18] : memref<10000x1xf32, #tpu.memory_space<vmem>>, vector<10000x1xf32>
    %add3A_20 = arith.addf %slice3A, %get3A_19 : vector<10000x1xf32>
    %swap3A = arith.constant 0 : index
    %swap3A_21 = arith.constant 0 : index
    %swap3A_22 = vector.load %arg6[%swap3A, %swap3A_21] : memref<10000x1xf32, #tpu.memory_space<vmem>>, vector<10000x1xf32>
    tpu.vector_store %arg6[%swap3A, %swap3A_21], %add3A_20 {strides = array<i32>} : memref<10000x1xf32, #tpu.memory_space<vmem>>, vector<10000x1xf32>,
    %iota3A = tpu.iota {dimensions = array<i32: 1>} : vector<10000x32xi32>
    %lt3A = arith.constant 31 : i32
    %lt3A_23 = vector.broadcast %lt3A : i32 to vector<10000x32xi32>
    %lt3A_24 = arith.cmpi slt, %iota3A, %lt3A_23 : vector<10000x32xi32>
    %jit3A = arith.constant 0.000000e+00 : f32
    %broadcast_in_dim3A = vector.broadcast %jit3A : f32 to vector<10000x32xf32>
    %select_n3A = arith.select %lt3A_24, %mul3A_16, %broadcast_in_dim3A : vector<10000x32xi1>, vector<10000x32xf32>
    %mul3A_25 = arith.mulf %select_n3A, %select_n3A : vector<10000x32xf32>
    %reduce_sum3A = arith.constant dense<0.000000e+00> : vector<10000xf32>
    %reduce_sum3A_26 = vector.multi_reduction <add>, %mul3A_25, %reduce_sum3A [1] : vector<10000x32xf32> to vector<10000xf32>
    %broadcast_in_dim3A_27 = vector.shape_cast %reduce_sum3A_26 : vector<10000xf32> to vector<10000x1xf32>
    %sqrt3A = math.sqrt %broadcast_in_dim3A_27 : vector<10000x1xf32>
    %add3A_28 = arith.constant 9.99999997E-7 : f32
    %add3A_29 = vector.broadcast %add3A_28 : f32 to vector<10000x1xf32>
    %add3A_30 = arith.addf %sqrt3A, %add3A_29 : vector<10000x1xf32>
    %div3A = vector.broadcast %add3A_30 : vector<10000x1xf32> to vector<10000x32xf32>
    %div3A_31 = arith.divf %select_n3A, %div3A : vector<10000x32xf32>
    %swap3A_32 = arith.constant 0 : index
    %swap3A_33 = arith.constant 0 : index
    %swap3A_34 = vector.load %arg4[%swap3A_32, %swap3A_33] : memref<10000x32xf32, #tpu.memory_space<vmem>>, vector<10000x32xf32>
    tpu.vector_store %arg4[%swap3A_32, %swap3A_33], %div3A_31 {strides = array<i32>} : memref<10000x32xf32, #tpu.memory_space<vmem>>, vector<10000x32xf32>,
    %mul3A_35 = arith.mulf %div3A_31, %div3A_31 : vector<10000x32xf32>
    %reduce_sum3A_36 = arith.constant dense<0.000000e+00> : vector<10000xf32>
    %reduce_sum3A_37 = vector.multi_reduction <add>, %mul3A_35, %reduce_sum3A_36 [1] : vector<10000x32xf32> to vector<10000xf32>
    %broadcast_in_dim3A_38 = vector.shape_cast %reduce_sum3A_37 : vector<10000xf32> to vector<10000x1xf32>
    %swap3A_39 = arith.constant 0 : index
    %swap3A_40 = arith.constant 0 : index
    %swap3A_41 = vector.load %arg5[%swap3A_39, %swap3A_40] : memref<10000x1xf32, #tpu.memory_space<vmem>>, vector<10000x1xf32>
    tpu.vector_store %arg5[%swap3A_39, %swap3A_40], %broadcast_in_dim3A_38 {strides = array<i32>} : memref<10000x1xf32, #tpu.memory_space<vmem>>, vector<10000x1xf32>,
    return
  }
}

module attributes {stable_mosaic.version = 14 : i64} {
  func.func @_dec_kernel(%arg0: i32, %arg1: memref<400x32xf32, #tpu.memory_space<vmem>>, %arg2: memref<10000x32xf32, #tpu.memory_space<vmem>>, %arg3: memref<400x1xf32, #tpu.memory_space<vmem>>, %arg4: memref<1x10000xf32, #tpu.memory_space<vmem>>, %arg5: memref<1x10000xf32, #tpu.memory_space<vmem>>, %arg6: memref<400x10000xf32, #tpu.memory_space<vmem>>) attributes {dimension_semantics = [#tpu.dimension_semantics<arbitrary>], iteration_bounds = array<i64: 25>, scalar_prefetch = 0 : i64, scratch_operands = 0 : i64, tpu.core_type = #tpu.core_type<tc>, window_params = [{transform_indices = @transform_0, window_bounds = array<i64: 400, 32>}, {pipeline_mode = #tpu.pipeline_mode<synchronous>, transform_indices = @transform_1, window_bounds = array<i64: 10000, 32>}, {transform_indices = @transform_2, window_bounds = array<i64: 400, 1>}, {pipeline_mode = #tpu.pipeline_mode<synchronous>, transform_indices = @transform_3, window_bounds = array<i64: 1, 10000>}, {pipeline_mode = #tpu.pipeline_mode<synchronous>, transform_indices = @transform_4, window_bounds = array<i64: 1, 10000>}, {transform_indices = @transform_5, window_bounds = array<i64: 400, 10000>}]} {
    %get3A = arith.constant 0 : index
    %get3A_0 = arith.constant 0 : index
    %get3A_1 = vector.load %arg1[%get3A, %get3A_0] : memref<400x32xf32, #tpu.memory_space<vmem>>, vector<400x32xf32>
    %get3A_2 = arith.constant 0 : index
    %get3A_3 = arith.constant 0 : index
    %get3A_4 = vector.load %arg2[%get3A_2, %get3A_3] : memref<10000x32xf32, #tpu.memory_space<vmem>>, vector<10000x32xf32>
    %dot_general3A = arith.constant dense<0.000000e+00> : vector<400x10000xf32>
    %dot_general3A_5 = tpu.matmul %get3A_1, %get3A_4, %dot_general3A {dimension_numbers = #tpu.dot_dimension_numbers<[1], [1], [0], [0], [0, 0, 1, 0], [], []>, transpose_lhs_hint = false} : vector<400x32xf32>, vector<10000x32xf32>, vector<400x10000xf32> -> vector<400x10000xf32>
    %get3A_6 = arith.constant 0 : index
    %get3A_7 = arith.constant 0 : index
    %get3A_8 = vector.load %arg3[%get3A_6, %get3A_7] : memref<400x1xf32, #tpu.memory_space<vmem>>, vector<400x1xf32>
    %get3A_9 = arith.constant 0 : index
    %get3A_10 = arith.constant 0 : index
    %get3A_11 = vector.load %arg4[%get3A_9, %get3A_10] : memref<1x10000xf32, #tpu.memory_space<vmem>>, vector<1x10000xf32>
    %add3A = vector.broadcast %get3A_8 : vector<400x1xf32> to vector<400x10000xf32>
    %add3A_12 = vector.broadcast %get3A_11 : vector<1x10000xf32> to vector<400x10000xf32>
    %add3A_13 = arith.addf %add3A, %add3A_12 : vector<400x10000xf32>
    %mul3A = arith.constant 2.000000e+00 : f32
    %mul3A_14 = vector.broadcast %mul3A : f32 to vector<400x10000xf32>
    %mul3A_15 = arith.mulf %mul3A_14, %dot_general3A_5 : vector<400x10000xf32>
    %sub3A = arith.subf %add3A_13, %mul3A_15 : vector<400x10000xf32>
    %max3A = arith.constant 0.000000e+00 : f32
    %max3A_16 = vector.broadcast %max3A : f32 to vector<400x10000xf32>
    %max3A_17 = arith.maximumf %sub3A, %max3A_16 : vector<400x10000xf32>
    %get3A_18 = arith.constant 0 : index
    %get3A_19 = arith.constant 0 : index
    %get3A_20 = vector.load %arg5[%get3A_18, %get3A_19] : memref<1x10000xf32, #tpu.memory_space<vmem>>, vector<1x10000xf32>
    %add3A_21 = arith.constant 9.99999997E-7 : f32
    %add3A_22 = vector.broadcast %add3A_21 : f32 to vector<400x10000xf32>
    %add3A_23 = arith.addf %max3A_17, %add3A_22 : vector<400x10000xf32>
    %log3A = math.log %add3A_23 : vector<400x10000xf32>
    %sub3A_24 = vector.broadcast %get3A_20 : vector<1x10000xf32> to vector<400x10000xf32>
    %sub3A_25 = arith.subf %sub3A_24, %log3A : vector<400x10000xf32>
    %swap3A = arith.constant 0 : index
    %swap3A_26 = arith.constant 0 : index
    %swap3A_27 = vector.load %arg6[%swap3A, %swap3A_26] : memref<400x10000xf32, #tpu.memory_space<vmem>>, vector<400x10000xf32>
    tpu.vector_store %arg6[%swap3A, %swap3A_26], %sub3A_25 {strides = array<i32>} : memref<400x10000xf32, #tpu.memory_space<vmem>>, vector<400x10000xf32>,
    return
  }
  func.func @transform_0(%arg0: i32) -> (i32, i32) {
    %c0_i32 = arith.constant 0 : i32
    %c0_i32_0 = arith.constant 0 : i32
    return %arg0, %c0_i32 : i32, i32
  }
  func.func @transform_1(%arg0: i32) -> (i32, i32) {
    %c0_i32 = arith.constant 0 : i32
    %c0_i32_0 = arith.constant 0 : i32
    %c0_i32_1 = arith.constant 0 : i32
    return %c0_i32, %c0_i32_0 : i32, i32
  }
  func.func @transform_2(%arg0: i32) -> (i32, i32) {
    %c0_i32 = arith.constant 0 : i32
    %c0_i32_0 = arith.constant 0 : i32
    return %arg0, %c0_i32 : i32, i32
  }
  func.func @transform_3(%arg0: i32) -> (i32, i32) {
    %c0_i32 = arith.constant 0 : i32
    %c0_i32_0 = arith.constant 0 : i32
    %c0_i32_1 = arith.constant 0 : i32
    return %c0_i32, %c0_i32_0 : i32, i32
  }
  func.func @transform_4(%arg0: i32) -> (i32, i32) {
    %c0_i32 = arith.constant 0 : i32
    %c0_i32_0 = arith.constant 0 : i32
    %c0_i32_1 = arith.constant 0 : i32
    return %c0_i32, %c0_i32_0 : i32, i32
  }
  func.func @transform_5(%arg0: i32) -> (i32, i32) {
    %c0_i32 = arith.constant 0 : i32
    %c0_i32_0 = arith.constant 0 : i32
    return %arg0, %c0_i32 : i32, i32
  }
}

</mosaic_0001>

<sc_bundles>
// kernel: kernel.12.cloned.1.call-start
scs
__scs_entry_jumppad:
0x0: {  	(pc) =	sbr.rel $0x88, $3  }
0x1: {  	(tag) =	ssettag $0x0;
	lr =	simm.s32 $0x1  }
0x2: {  	[smem:$0x3F9C] =	sst lr;
	_ =	strace $0xD0000000  }
0x3: {  	_ = 	snop  }
0x4: {  	_ = 	snop  }
0x5: {  	_ = 	snop  }
0x6: {  	_ = 	snop  }
0x7: {  	_ = 	snop  }
__scs_overlays_trampoline_lowered:
0x8: {  	[smem:$0x3FAB] =	sst s0  }
0x9: {  	[smem:$0x3FAC] =	sst s1  }
0xa: {  	[smem:$0x3FAD] =	sst s2  }
0xb: {  	[smem:$0x3FAE] =	sst s3  }
0xc: {  	[smem:$0x3FAF] =	sst s4  }
0xd: {  	[smem:$0x3FB0] =	sst s5  }
0xe: {  	[smem:$0x3FB1] =	sst s6  }
0xf: {  	[smem:$0x3FB2] =	sst s7  }
0x10: {  	[smem:$0x3FB3] =	sst s8  }
0x11: {  	[smem:$0x3FB4] =	sst s9;
	s0 =	simm.s32 @!p0 $0x0  }
0x12: {  	s1 =	sld [smem:$0x3F9A];
	s0 =	simm.s32 @p0 $0x1  }
0x13: {  	[smem:$0x3FB5] =	sst s0;
	s0 =	simm.s32 @!p1 $0x0  }
0x14: {  	s2 =	sld [smem:$0x3F99];
	s0 =	simm.s32 @p1 $0x1  }
0x15: {  	[smem:$0x3FB6] =	sst s0;
	s0 =	simm.s32 @!p2 $0x0  }
0x16: {  	s3 =	sld [smem:$0x3FDB];
	s0 =	simm.s32 @p2 $0x1  }
0x17: {  	s4 =	simm.s32 $0x1BF5;
	[smem:$0x3FB8] =	sst s0  }
0x18: {  	s0 =	sld [smem:$0x3F9B];
	_ =	swait.ge [sflag:s4], $0x0  }
0x19: {  	s7 =	sld [smem:$0x3F9C]  }
0x1a: {  	s8 =	sadd.s32 $0xFFFFE003, lr  }
0x1b: {  	s9 =	sadd.s32 $0xFFFFFEF7, lr;
	s5 =	simm.s32 $0xFFFFFFFF;
	p2 =	slt.u32 s8, $0xFFFFF086  }
0x1c: {  	p1 =	slt.u32 s9, $0xF7A;
	s5 =	simm.s32 @!p2 $0x0  }
0x1d: {  	s5 =	simm.s32 @p1 $0x1;
	p0 =	seq.s32 s7, s2  }
0x1e: {  	s7 =	smul.u32 @!p0 $0xF7A, s2;
	p2 =	seq.s32 @!p0 s5, $0x0  }
0x1f: {  	s9 =	smul.u32 $0xF7A, s1;
	s8 =	simm.s32 @!p0 $0x1BF5;
	p2 =	por !p2, p0  }
0x20: {  	[sflag:s8] =	ssyncset.s32 @!p0 $0xFFFFF086;
	s6 =	sadd.s32 @!p0 s3, s7;
	s7 =	simm.s32 @!p0 $0x108  }
0x21: {  	s3 =	sadd.s32 s3, s9;
	s6 =	sadd.s32 @!p0 $0x88, s6;
	s7 =	simm.s32 @p2 $0x1082  }
0x22: {  	[simem:s7], [sflag:s8] =	dma.local @!p0 [hbm:s6], $0xF7A  }
0x23: {  	s9 =	sor.u32 $0xD0000000, s2;
	s6 =	simm.s32 $0x108;
	_ =	swait.ge @!p0 [sflag:s8], $0x0  }
0x24: {  	s3 =	sadd.s32 $0x88, s3;
	s6 =	simm.s32 @!p1 $0x1082;
	[sflag:s4] =	ssyncset.s32 $0xFFFFF086  }
0x25: {  	[simem:s6], [sflag:s4] =	dma.local [hbm:s3], $0xF7A  }
0x26: {  	[smem:$0x3F9C] =	sst s1;
	(tag) =	ssettag s2;
	_ =	strace s9  }
0x27: {  	s1 =	sld [smem:$0x3FAC]  }
0x28: {  	s2 =	sld [smem:$0x3FAD]  }
0x29: {  	s4 =	sld [smem:$0x3FAF]  }
0x2a: {  	p0 =	seq.s32 s5, $0x0;
	s5 =	sld [smem:$0x3FB0]  }
0x2b: {  	s6 =	sld [smem:$0x3FB1]  }
0x2c: {  	s7 =	sld [smem:$0x3FB2]  }
0x2d: {  	s3 =	simm.s32 $0x108;
	s8 =	sld [smem:$0x3FB3]  }
0x2e: {  	s3 =	simm.s32 @!p0 $0x1082;
	s9 =	sld [smem:$0x3FB4]  }
0x2f: {  	lr =	sadd.s32 s0, s3;
	s0 =	sld [smem:$0x3FAB]  }
0x30: {  	s3 =	sld [smem:$0x3FAE]  }
0x31: {  	[smem:$0x3FB7] =	sst s10  }
0x32: {  	s10 =	sld [smem:$0x3FB5];
	_ =	sdelay $0x3  }
0x33: {  	p0 =	seq.s32 s10, $0x1;
	s10 =	sld [smem:$0x3FB7];
	_ =	sdelay $0x3  }
0x34: {  	[smem:$0x3FB7] =	sst s10  }
0x35: {  	s10 =	sld [smem:$0x3FB6];
	_ =	sdelay $0x3  }
0x36: {  	p1 =	seq.s32 s10, $0x1;
	s10 =	sld [smem:$0x3FB7];
	_ =	sdelay $0x3  }
0x37: {  	[smem:$0x3FB7] =	sst s10  }
0x38: {  	s10 =	sld [smem:$0x3FB8]  }
0x39: {  	_ = 	snop;
	(pc) =	sbr.ind lr, $3  }
0x3a: {  	_ = 	snop  }
0x3b: {  	_ = 	snop  }
0x3c: {  	p2 =	seq.s32 s10, $0x1;
	s10 =	sld [smem:$0x3FB7]  }
0x3d: {  	_ =	shalt  }
0x3e: {  	_ =	shalt  }
0x3f: {  	_ =	shalt  }
0x40: {  	_ =	shalt  }
0x41: {  	_ =	shalt  }
0x42: {  	_ =	shalt  }
0x43: {  	_ =	shalt  }
0x44: {  	_ =	shalt  }
0x45: {  	_ =	shalt  }
0x46: {  	_ =	shalt  }
0x47: {  	_ =	shalt  }
0x48: {  	_ =	shalt  }
0x49: {  	_ =	shalt  }
0x4a: {  	_ =	shalt  }
0x4b: {  	_ =	shalt  }
0x4c: {  	_ =	shalt  }
0x4d: {  	_ =	shalt  }
0x4e: {  	_ =	shalt  }
0x4f: {  	_ =	shalt  }
0x50: {  	_ =	shalt  }
0x51: {  	_ =	shalt  }
0x52: {  	_ =	shalt  }
0x53: {  	_ =	shalt  }
0x54: {  	_ =	shalt  }
0x55: {  	_ =	shalt  }
0x56: {  	_ =	shalt  }
0x57: {  	_ =	shalt  }
0x58: {  	_ =	shalt  }
0x59: {  	_ =	shalt  }
0x5a: {  	_ =	shalt  }
0x5b: {  	_ =	shalt  }
0x5c: {  	_ =	shalt  }
0x5d: {  	_ =	shalt  }
0x5e: {  	_ =	shalt  }
0x5f: {  	_ =	shalt  }
0x60: {  	_ =	shalt  }
0x61: {  	_ =	shalt  }
0x62: {  	_ =	shalt  }
0x63: {  	_ =	shalt  }
0x64: {  	_ =	shalt  }
0x65: {  	_ =	shalt  }
0x66: {  	_ =	shalt  }
0x67: {  	_ =	shalt  }
0x68: {  	_ =	shalt  }
0x69: {  	_ =	shalt  }
0x6a: {  	_ =	shalt  }
0x6b: {  	_ =	shalt  }
0x6c: {  	_ =	shalt  }
0x6d: {  	_ =	shalt  }
0x6e: {  	_ =	shalt  }
0x6f: {  	_ =	shalt  }
0x70: {  	_ =	shalt  }
0x71: {  	_ =	shalt  }
0x72: {  	_ =	shalt  }
0x73: {  	_ =	shalt  }
0x74: {  	_ =	shalt  }
0x75: {  	_ =	shalt  }
0x76: {  	_ =	shalt  }
0x77: {  	_ =	shalt  }
0x78: {  	_ =	shalt  }
0x79: {  	_ =	shalt  }
0x7a: {  	_ =	shalt  }
0x7b: {  	_ =	shalt  }
0x7c: {  	_ =	shalt  }
0x7d: {  	_ =	shalt  }
0x7e: {  	_ =	shalt  }
0x7f: {  	_ =	shalt  }
0x80: {  	_ =	shalt  }
0x81: {  	_ =	shalt  }
0x82: {  	_ =	shalt  }
0x83: {  	_ =	shalt  }
0x84: {  	_ =	shalt  }
0x85: {  	_ =	shalt  }
0x86: {  	_ =	shalt  }
0x87: {  	_ =	shalt  }
.Lfunc_end0:
.L_simem_size_0:
called_computation.1_lowered:
.L_overlay_start_0:
0x88: {  	s2 =	sld [smem:$0x3FD9]  }
0x89: {  	s3 =	sld [smem:$0x3FFE];
	_ =	sdelay $0x1  }
0x8a: {  	s1 =	srdreg.scid  }
0x8b: {  	s0 =	sand.u32 $0x1, s1  }
0x8c: {  	s17 =	sshll.u32 s0, $0xA;
	s2 =	sadd.s32 s3, s2  }
0x8d: {  	s2 =	sadd.s32 s2, s17  }
0x8e: {  	[smem:$0x3FC3] =	sst s2  }
0x8f: {  	_ = 	snop  }
0x90: {  	s2 =	sld [smem:$0x3FD0];
	(tm) =	ssettm $0x1  }
0x91: {  	s18 =	sld [smem:$0x3FFB];
	_ =	sdelay $0x3  }
0x92: {  	_ =	strace s18  }
0x93: {  	s3 =	sld [smem:$0x3FFC];
	_ =	sdelay $0x3  }
0x94: {  	_ =	strace s3  }
0x95: {  	s3 =	sld [smem:$0x3FFD];
	_ =	sdelay $0x3  }
0x96: {  	_ =	strace s3  }
0x97: {  	_ =	strace $0x8FFFFFFF  }
0x98: {  	s19 =	sld [smem:$0x3FDB];
	_ =	sdelay $0x1  }
0x99: {  	s4 =	simm.s32 $_scs_section_size  }
0x9a: {  	s5 =	simm.s32 $_size__tile_overlayer_lowered;
	s6 =	simm.s32 $_tile_overlayer_lowered  }
0x9b: {  	s22 =	simm.s32 $0x1BFF;
	s21 =	sshll.u32 s6, $0x1;
	s3 =	sadd.s32 s4, s19  }
0x9c: {  	s7 =	simm.s32 $0x0;
	s20 =	sshll.u32 s5, $0x1;
	s5 =	sadd.s32 s21, s3  }
0x9d: {  	[timem:s7], [sflag:s22] =	dma.local [hbm:s5], s20  }
0x9e: {  	_ =	swait.ge [sflag:s22], s20  }
0x9f: {  	s4 =	ssub.s32 $0x0, s20;
	[sflag:s22] =	ssyncset.done $0x0  }
0xa0: {  	[sflag:s22] =	ssyncadd.s32 s4;
	_ =	sdelay $0x1  }
0xa1: {  	s23 =	simm.s32 $0x1B8B  }
0xa2: {  	_ =	swait.ge [sflag:s23], $0x1  }
0xa3: {  	[sflag:s23] =	ssyncset.done $0x0  }
0xa4: {  	s25 =	simm.s32 $0x1B8E;
	s24 =	sld [smem:$0x3FFE];
	[sflag:s23] =	ssyncadd.s32 $0xFFFFFFFF  }
0xa5: {  	s26 =	simm.s32 $execute0_lowered;
	[smem:$0x3FD2] =	sst s25  }
0xa6: {  	s5 =	sshll.u32 s26, $0x1;
	_ =	strace $0x80000049;
	[dreg:$0x1] =	wrdreg $0xFFFFFFFF  }
0xa7: {  	s28 =	simm.s32 $_size_execute0_lowered;
	s3 =	sadd.s32 s3, s5;
	[dreg:$0x0] =	wrdreg $0x0  }
0xa8: {  	s5 =	sshll.u32 s28, $0x1;
	[dreg:$0x2] =	wrdreg s3  }
0xa9: {  	[dreg:$0x3] =	wrdreg s5  }
0xaa: {  	[dreg:$0x4] =	wrdreg $0xC0  }
0xab: {  	_ =	task [dreg:s7], $0x5FFFF  }
0xac: {  	[dreg:$0x1] =	wrdreg $0xFFFFFFFF  }
0xad: {  	[dreg:$0x0] =	wrdreg $0x60  }
0xae: {  	[dreg:$0x2] =	wrdreg s24  }
0xaf: {  	[dreg:$0x3] =	wrdreg s2  }
0xb0: {  	[dreg:$0x4] =	wrdreg $0xCD000  }
0xb1: {  	[dreg:$0x5] =	wrdreg $0x9  }
0xb2: {  	_ =	task.clear_ibuf [dreg:s7], $0x6FFFF;
	_ =	strace $0x90000049  }
0xb3: {  	s29 =	simm.s32 $0x9;
	_ =	strace $0x8000004B  }
0xb4: {  	_ =	swait.ge [sflag:s29], $0x1  }
0xb5: {  	[sflag:s29] =	ssyncadd.s32 $0xFFFFFFFF  }
0xb6: {  	_ =	strace $0x9000004B  }
0xb7: {  	_ =	sfence  }
0xb8: {  	s30 =	sld [smem:$0x0];
	_ =	sdelay $0x2  }
0xb9: {  	s31 =	sshll.u32 s1, $0xD;
	s1 =	sshrl.u32 s1, $0x2  }
0xba: {  	s3 =	sand.u32 $0x4000, s31;
	s1 =	sadd.s32 s1, s30  }
0xbb: {  	s0 =	sor.u32 s3, s0;
	s1 =	sshll.u32 s1, $0x11  }
0xbc: {  	s0 =	sor.u32 s1, s0  }
0xbd: {  	s0 =	sadd.s32 $0x8F2B, s0  }
0xbe: {  	[sflag:s0] =	ssyncadd.remote.s32 $0x1  }
0xbf: {  	_ =	sfence.sel $0xFFFF  }
0xc0: {  	[dreg:$0x0] =	wrdreg $0xFFFFFFFF;
	(pc) =	sbr.abs _section_cstart, $3  }
0xc1: {  	[dreg:$0x1] =	wrdreg $0xFFFFFFFF  }
0xc2: {  	_ =	task.clear_ibuf [dreg:s7], $0x2FFFF;
	_ =	strace $0x9FFFFFFF  }
0xc3: {  	(tm) =	ssettm $0x7FFFFFFF  }
tec
execute0_lowered:
.L_overlay_start_1:
0x0: {  	(tag) =	ssettag $0x1  }
0x1: {  	s0 =	srdreg.scid;
	s1 =	rddreg [dreg:$0x0]  }
0x2: {  	s10 =	stileid.u32;
	s2 =	rddreg [dreg:$0x1];
	s12 =	simm.s32 $0x5  }
0x3: {  	s14 =	simm.s32 $0x7D;
	s15 =	simm.s32 $0x5000;
	s16 =	simm.s32 $0x80  }
0x4: {  	s17 =	simm.s32 $0x6F40;
	s18 =	simm.s32 $0x100;
	s19 =	simm.s32 $0x8E80  }
0x5: {  	s20 =	simm.s32 $0x180;
	s21 =	simm.s32 $0xADC0;
	s22 =	simm.s32 $0x1  }
0x6: {  	s23 =	simm.s32 $0x2;
	s24 =	simm.s32 $0x3;
	s28 =	simm.s32 $0x4E80  }
0x7: {  	s29 =	simm.s32 $0x4F00;
	s30 =	simm.s32 $0x4F80;
	s31 =	simm.s32 $0x0  }
0x8: {  	s0 =	sand.u32 $0x1, s0;
	s6 =	smul.u32 $0x9C40, s10;
	s26 =	sshll.u32 s10, $0x6  }
0x9: {  	s3 =	sshll.u32 s0, $0x4;
	s7 =	smul.u32 $0x9C400, s0;
	s0 =	ssub.s32 $0x2, s0  }
0xa: {  	s4 =	sor.u32 s10, s3;
	s3 =	rddreg [dreg:$0x2];
	s25 =	sshrl.u32 s6, $0x3  }
0xb: {  	s9 =	sshrl.u32 s0, $0x1;
	s5 =	smul.u32 $0x500, s4;
	s4 =	simm.s32 $0x0  }
0xc: {  	s7 =	sadd.s32 s6, s7;
	s0 =	ssub.s32 s0, s9;
	s11 =	sadd.s32 s6, s3  }
0xd: {  	s6 =	sor.u32 $0x1C05, s26;
	s26 =	simm.s32 $0x4E00;
	[smem:$0x7FF] =	sst s4  }
0xe: {  	s7 =	sshrl.u32 s7, $0x3;
	s10 =	smax.u32 s0, $0x1;
	s11 =	sshrl.u32 s11, $0x3  }
0xf: {  	_ =	strace $0x8000004A;
	s8 =	sadd.s32 s5, s1;
	s5 =	sadd.s32 s25, s1  }
0x10: {  	s1 =	sadd.s32 s7, s1;
	s25 =	simm.s32 $0x4;
	s5 =	sadd.s32 $0x41A00, s5  }
0x11: {  	s7 =	sadd.s32 $0x10800, s8;
	s8 =	sadd.s32 $0x1600, s8;
	s9 =	sadd.s32 $0x55400, s1  }
.LBB2_1:
0x12: {  	[spmem:s11], [sflag:s6] =	dma.local [hbm:s5], $0x1388  }
0x13: {  	_ =	swait.ge [sflag:s12], $0x1388  }
0x14: {  	[sflag:s12] =	ssyncset.done $0x0  }
0x15: {  	[sflag:s12] =	ssyncadd.s32 $0xFFFFEC78  }
0x16: {  	[tilespmem:s4], [sflag:$0x5] =	stream.linear.gather [hbm4b:s7+s4], $0x2800, $0x38;
	[tilespmem:$0x16940] =	vst v63  }
0x17: {  	_ =	swait.ge [sflag:s12], $0x2800  }
0x18: {  	[sflag:s12] =	ssyncset.done $0x0  }
0x19: {  	s0 =	simm.s32 $0x2800;
	[sflag:s12] =	ssyncadd.s32 $0xFFFFD800  }
0x1a: {  	[tilespmem:s0], [sflag:$0x5] =	stream.linear.gather [hbm4b:s8+s4], $0x2800, $0x38;
	[tilespmem:$0x16940] =	vst v63  }
0x1b: {  	_ =	swait.ge [sflag:s12], $0x2800  }
0x1c: {  	[sflag:s12] =	ssyncset.done $0x0  }
0x1d: {  	[sflag:s12] =	ssyncadd.s32 $0xFFFFD800  }
0x1e: {  	[bflag:$0x0] =	sbarrier.arrive $0xFFFF  }
0x1f: {  	[tilespmem:s15], [sflag:$0x1] =	stream.indirect.gather [hbm4b:s2+s14], $0x40, s4, s14, $0xb8;
	[tilespmem:$0x16940] =	vst v63  }
0x20: {  	_ = 	snop  }
0x21: {  	[tilespmem:s17], [sflag:$0x2] =	stream.indirect.gather [hbm4b:s2+s14], $0x40, s16, s14, $0xb8;
	[tilespmem:$0x16940] =	vst v63  }
0x22: {  	_ = 	snop  }
0x23: {  	[tilespmem:s19], [sflag:$0x3] =	stream.indirect.gather [hbm4b:s2+s14], $0x40, s18, s14, $0xb8;
	[tilespmem:$0x16940] =	vst v63  }
0x24: {  	_ = 	snop  }
0x25: {  	[tilespmem:s21], [sflag:$0x4] =	stream.indirect.gather [hbm4b:s2+s14], $0x40, s20, s14, $0xb8;
	[tilespmem:$0x16940] =	vst v63  }
0x26: {  	_ =	swait.ge [sflag:s22], $0x1F40  }
0x27: {  	[sflag:s22] =	ssyncset.done $0x0  }
0x28: {  	s13 =	simm.s32 $0x2800;
	[sflag:s22] =	ssyncadd.s32 $0xFFFFE0C0  }
0x29: {  	[spmem:s3] =	stream.indirect.scatter.add.f32 [tilespmem:s15], [sflag:$0x5], $0x40, s13, s14, $0xb8;
	[tilespmem:$0x16940] =	vst v63  }
0x2a: {  	_ =	swait.ge [sflag:s12], $0x1F40  }
0x2b: {  	[sflag:s12] =	ssyncset.done $0x0  }
0x2c: {  	s1 =	simm.s32 $0x200;
	[sflag:s12] =	ssyncadd.s32 $0xFFFFE0C0  }
0x2d: {  	[tilespmem:s15], [sflag:$0x1] =	stream.indirect.gather [hbm4b:s2+s14], $0x40, s1, s14, $0xb8;
	[tilespmem:$0x16940] =	vst v63  }
0x2e: {  	_ =	swait.ge [sflag:s23], $0x1F40  }
0x2f: {  	[sflag:s23] =	ssyncset.done $0x0  }
0x30: {  	s13 =	simm.s32 $0x2880;
	[sflag:s23] =	ssyncadd.s32 $0xFFFFE0C0  }
0x31: {  	[spmem:s3] =	stream.indirect.scatter.add.f32 [tilespmem:s17], [sflag:$0x5], $0x40, s13, s14, $0xb8;
	[tilespmem:$0x16940] =	vst v63  }
0x32: {  	_ =	swait.ge [sflag:s12], $0x1F40  }
0x33: {  	[sflag:s12] =	ssyncset.done $0x0  }
0x34: {  	s1 =	simm.s32 $0x280;
	[sflag:s12] =	ssyncadd.s32 $0xFFFFE0C0  }
0x35: {  	[tilespmem:s17], [sflag:$0x2] =	stream.indirect.gather [hbm4b:s2+s14], $0x40, s1, s14, $0xb8;
	[tilespmem:$0x16940] =	vst v63  }
0x36: {  	_ =	swait.ge [sflag:s24], $0x1F40  }
0x37: {  	[sflag:s24] =	ssyncset.done $0x0  }
0x38: {  	s13 =	simm.s32 $0x2900;
	[sflag:s24] =	ssyncadd.s32 $0xFFFFE0C0  }
0x39: {  	[spmem:s3] =	stream.indirect.scatter.add.f32 [tilespmem:s19], [sflag:$0x5], $0x40, s13, s14, $0xb8;
	[tilespmem:$0x16940] =	vst v63  }
0x3a: {  	_ =	swait.ge [sflag:s12], $0x1F40  }
0x3b: {  	[sflag:s12] =	ssyncset.done $0x0  }
0x3c: {  	s1 =	simm.s32 $0x300;
	[sflag:s12] =	ssyncadd.s32 $0xFFFFE0C0  }
0x3d: {  	[tilespmem:s19], [sflag:$0x3] =	stream.indirect.gather [hbm4b:s2+s14], $0x40, s1, s14, $0xb8;
	[tilespmem:$0x16940] =	vst v63  }
0x3e: {  	_ =	swait.ge [sflag:s25], $0x1F40  }
0x3f: {  	[sflag:s25] =	ssyncset.done $0x0  }
0x40: {  	s13 =	simm.s32 $0x2980;
	[sflag:s25] =	ssyncadd.s32 $0xFFFFE0C0  }
0x41: {  	[spmem:s3] =	stream.indirect.scatter.add.f32 [tilespmem:s21], [sflag:$0x5], $0x40, s13, s14, $0xb8;
	[tilespmem:$0x16940] =	vst v63  }
0x42: {  	_ =	swait.ge [sflag:s12], $0x1F40  }
0x43: {  	[sflag:s12] =	ssyncset.done $0x0  }
0x44: {  	s0 =	simm.s32 $0x380;
	s1 =	simm.s32 $0x800;
	[sflag:s12] =	ssyncadd.s32 $0xFFFFE0C0  }
.LBB2_2:
0x45: {  	[tilespmem:s21], [sflag:$0x4] =	stream.indirect.gather [hbm4b:s2+s14], $0x40, s0, s14, $0xb8;
	[tilespmem:$0x16940] =	vst v63  }
0x46: {  	s0 =	smov.u32 s1  }
0x47: {  	p0 =	sne.s32 s1, $0x9000;
	s1 =	sadd.s32 $0x800, s1;
	_ =	swait.ge [sflag:s22], $0x1F40  }
0x48: {  	s0 =	sshra.s32 s0, $0x2;
	[sflag:s22] =	ssyncset.done $0x0  }
0x49: {  	s13 =	sadd.s32 $0x2800, s0;
	[sflag:s22] =	ssyncadd.s32 $0xFFFFE0C0  }
0x4a: {  	[spmem:s3] =	stream.indirect.scatter.add.f32 [tilespmem:s15], [sflag:$0x5], $0x40, s13, s14, $0xb8;
	[tilespmem:$0x16940] =	vst v63  }
0x4b: {  	_ =	swait.ge [sflag:s12], $0x1F40  }
0x4c: {  	[sflag:s12] =	ssyncset.done $0x0  }
0x4d: {  	s13 =	sadd.s32 $0x200, s0;
	[sflag:s12] =	ssyncadd.s32 $0xFFFFE0C0  }
0x4e: {  	[tilespmem:s15], [sflag:$0x1] =	stream.indirect.gather [hbm4b:s2+s14], $0x40, s13, s14, $0xb8;
	[tilespmem:$0x16940] =	vst v63  }
0x4f: {  	_ =	swait.ge [sflag:s23], $0x1F40  }
0x50: {  	[sflag:s23] =	ssyncset.done $0x0  }
0x51: {  	s13 =	sadd.s32 $0x2880, s0;
	[sflag:s23] =	ssyncadd.s32 $0xFFFFE0C0  }
0x52: {  	[spmem:s3] =	stream.indirect.scatter.add.f32 [tilespmem:s17], [sflag:$0x5], $0x40, s13, s14, $0xb8;
	[tilespmem:$0x16940] =	vst v63  }
0x53: {  	_ =	swait.ge [sflag:s12], $0x1F40  }
0x54: {  	[sflag:s12] =	ssyncset.done $0x0  }
0x55: {  	s13 =	sadd.s32 $0x280, s0;
	[sflag:s12] =	ssyncadd.s32 $0xFFFFE0C0  }
0x56: {  	[tilespmem:s17], [sflag:$0x2] =	stream.indirect.gather [hbm4b:s2+s14], $0x40, s13, s14, $0xb8;
	[tilespmem:$0x16940] =	vst v63  }
0x57: {  	_ =	swait.ge [sflag:s24], $0x1F40  }
0x58: {  	[sflag:s24] =	ssyncset.done $0x0  }
0x59: {  	s13 =	sadd.s32 $0x2900, s0;
	[sflag:s24] =	ssyncadd.s32 $0xFFFFE0C0  }
0x5a: {  	[spmem:s3] =	stream.indirect.scatter.add.f32 [tilespmem:s19], [sflag:$0x5], $0x40, s13, s14, $0xb8;
	[tilespmem:$0x16940] =	vst v63  }
0x5b: {  	_ =	swait.ge [sflag:s12], $0x1F40  }
0x5c: {  	[sflag:s12] =	ssyncset.done $0x0  }
0x5d: {  	s13 =	sadd.s32 $0x300, s0;
	[sflag:s12] =	ssyncadd.s32 $0xFFFFE0C0  }
0x5e: {  	[tilespmem:s19], [sflag:$0x3] =	stream.indirect.gather [hbm4b:s2+s14], $0x40, s13, s14, $0xb8;
	[tilespmem:$0x16940] =	vst v63  }
0x5f: {  	_ =	swait.ge [sflag:s25], $0x1F40  }
0x60: {  	[sflag:s25] =	ssyncset.done $0x0  }
.Ltmp0:
0x61: {  	s13 =	sadd.s32 $0x2980, s0;
	[sflag:s25] =	ssyncadd.s32 $0xFFFFE0C0;
	(pc) =	sbr.rel @p0 .LBB2_2-.Ltmp0, $4  }
0x62: {  	[spmem:s3] =	stream.indirect.scatter.add.f32 [tilespmem:s21], [sflag:$0x5], $0x40, s13, s14, $0xb8;
	[tilespmem:$0x16940] =	vst v63  }
0x63: {  	_ =	swait.ge [sflag:s12], $0x1F40  }
0x64: {  	[sflag:s12] =	ssyncset.done $0x0  }
0x65: {  	s0 =	sadd.s32 $0x380, s0;
	[sflag:s12] =	ssyncadd.s32 $0xFFFFE0C0  }
0x66: {  	[tilespmem:s21], [sflag:$0x4] =	stream.indirect.gather [hbm4b:s2+s14], $0x40, s0, s14, $0xb8;
	[tilespmem:$0x16940] =	vst v63  }
0x67: {  	_ =	swait.ge [sflag:s22], $0x1F40  }
0x68: {  	[sflag:s22] =	ssyncset.done $0x0  }
0x69: {  	[sflag:s22] =	ssyncadd.s32 $0xFFFFE0C0  }
0x6a: {  	[spmem:s3] =	stream.indirect.scatter.add.f32 [tilespmem:s15], [sflag:$0x5], $0x40, s26, s14, $0xb8;
	[tilespmem:$0x16940] =	vst v63  }
0x6b: {  	_ =	swait.ge [sflag:s12], $0x1F40  }
0x6c: {  	[sflag:s12] =	ssyncset.done $0x0  }
0x6d: {  	[sflag:s12] =	ssyncadd.s32 $0xFFFFE0C0  }
0x6e: {  	_ =	swait.ge [sflag:s23], $0x1F40  }
0x6f: {  	[sflag:s23] =	ssyncset.done $0x0  }
0x70: {  	[sflag:s23] =	ssyncadd.s32 $0xFFFFE0C0  }
0x71: {  	[spmem:s3] =	stream.indirect.scatter.add.f32 [tilespmem:s17], [sflag:$0x5], $0x40, s28, s14, $0xb8;
	[tilespmem:$0x16940] =	vst v63  }
0x72: {  	_ =	swait.ge [sflag:s12], $0x1F40  }
0x73: {  	[sflag:s12] =	ssyncset.done $0x0  }
0x74: {  	[sflag:s12] =	ssyncadd.s32 $0xFFFFE0C0  }
0x75: {  	_ =	swait.ge [sflag:s24], $0x1F40  }
0x76: {  	[sflag:s24] =	ssyncset.done $0x0  }
0x77: {  	[sflag:s24] =	ssyncadd.s32 $0xFFFFE0C0  }
0x78: {  	[spmem:s3] =	stream.indirect.scatter.add.f32 [tilespmem:s19], [sflag:$0x5], $0x40, s29, s14, $0xb8;
	[tilespmem:$0x16940] =	vst v63  }
0x79: {  	_ =	swait.ge [sflag:s12], $0x1F40  }
0x7a: {  	[sflag:s12] =	ssyncset.done $0x0  }
0x7b: {  	[sflag:s12] =	ssyncadd.s32 $0xFFFFE0C0  }
0x7c: {  	_ =	swait.ge [sflag:s25], $0x1F40  }
0x7d: {  	[sflag:s25] =	ssyncset.done $0x0  }
0x7e: {  	[sflag:s25] =	ssyncadd.s32 $0xFFFFE0C0  }
0x7f: {  	[spmem:s3] =	stream.indirect.scatter.add.f32 [tilespmem:s21], [sflag:$0x5], $0x40, s30, s14, $0xb8;
	[tilespmem:$0x16940] =	vst v63  }
0x80: {  	_ =	swait.ge [sflag:s12], $0x1F40  }
0x81: {  	s31 =	sadd.s32 $0x1, s31;
	[sflag:s12] =	ssyncset.done $0x0  }
0x82: {  	p0 =	sne.s32 s31, s10;
	[sflag:s12] =	ssyncadd.s32 $0xFFFFE0C0  }
.Ltmp1:
0x83: {  	[bflag:$0x0] =	sbarrier.arrive $0xFFFF;
	(pc) =	sbr.rel @p0 .LBB2_1-.Ltmp1, $4  }
0x84: {  	[hbm:s9], [sflag:s6] =	dma.local [spmem:s11], $0x1388  }
0x85: {  	_ =	swait.ge [sflag:s12], $0x1388  }
0x86: {  	[sflag:s12] =	ssyncset.done $0x0  }
0x87: {  	[sflag:s12] =	ssyncadd.s32 $0xFFFFEC78  }
0x88: {  	_ =	sfence.sel $0x180000  }
0x89: {  	[bflag:$0x0] =	sbarrier.arrive $0xFFFF  }
0x8a: {  	_ =	strace $0x9000004A  }
0x8b: {  	s0 =	stileid.u32;
	[bflag:$0x2] =	sbarrier.arrive $0xFFFF  }
0x8c: {  	p0 =	sne.s32 s0, $0x0;
	s0 =	rddreg [dreg:$0x3]  }
0x8d: {  	s0 =	sadd.s32 @!p0 $0x100000, s0  }
0x8e: {  	[sflag:s0] =	ssyncadd.tile.s32 @!p0 $0x1;
	_ =	shalt  }
.Lfunc_end2:
_tile_overlayer_lowered:
.L_overlay_start_2:
0x8f: {  	(tag) =	ssettag $0x2  }
0x90: {  	s0 =	rddreg [dreg:$0x0];
	s2 =	stileid.u32  }
0x91: {  	s1 =	rddreg [dreg:$0x1];
	p0 =	sne.s32 s2, $0x0  }
0x92: {  	s3 =	rddreg [dreg:$0x2];
	[bflag:$0x3] =	sbarrier.arrive $0xFFFF;
	s2 =	simm.s32 @!p0 $0x1C05  }
0x93: {  	[timem:s3], [sflag:s2] =	dma.local @!p0 [hbm:s0], s1  }
0x94: {  	s0 =	simm.s32 @!p0 $0x5  }
0x95: {  	_ =	swait.ge @!p0 [sflag:s0], s1  }
0x96: {  	s1 =	ssub.s32 @!p0 $0x0, s1;
	[sflag:s0] =	ssyncset.done @!p0 $0x0  }
0x97: {  	[sflag:s0] =	ssyncadd.s32 @!p0 s1  }
0x98: {  	[bflag:$0x3] =	sbarrier.arrive $0xFFFF  }
0x99: {  	_ =	shalt  }

// kernel: kernel.15.cloned.1.call-start
scs
__scs_entry_jumppad:
0x0: {  	(pc) =	sbr.rel $0x88, $3  }
0x1: {  	(tag) =	ssettag $0x0;
	lr =	simm.s32 $0x1  }
0x2: {  	[smem:$0x3F9C] =	sst lr;
	_ =	strace $0xD0000000  }
0x3: {  	_ = 	snop  }
0x4: {  	_ = 	snop  }
0x5: {  	_ = 	snop  }
0x6: {  	_ = 	snop  }
0x7: {  	_ = 	snop  }
__scs_overlays_trampoline_lowered:
0x8: {  	[smem:$0x3FAB] =	sst s0  }
0x9: {  	[smem:$0x3FAC] =	sst s1  }
0xa: {  	[smem:$0x3FAD] =	sst s2  }
0xb: {  	[smem:$0x3FAE] =	sst s3  }
0xc: {  	[smem:$0x3FAF] =	sst s4  }
0xd: {  	[smem:$0x3FB0] =	sst s5  }
0xe: {  	[smem:$0x3FB1] =	sst s6  }
0xf: {  	[smem:$0x3FB2] =	sst s7  }
0x10: {  	[smem:$0x3FB3] =	sst s8  }
0x11: {  	[smem:$0x3FB4] =	sst s9;
	s0 =	simm.s32 @!p0 $0x0  }
0x12: {  	s1 =	sld [smem:$0x3F9A];
	s0 =	simm.s32 @p0 $0x1  }
0x13: {  	[smem:$0x3FB5] =	sst s0;
	s0 =	simm.s32 @!p1 $0x0  }
0x14: {  	s2 =	sld [smem:$0x3F99];
	s0 =	simm.s32 @p1 $0x1  }
0x15: {  	[smem:$0x3FB6] =	sst s0;
	s0 =	simm.s32 @!p2 $0x0  }
0x16: {  	s3 =	sld [smem:$0x3FDB];
	s0 =	simm.s32 @p2 $0x1  }
0x17: {  	s4 =	simm.s32 $0x1BF5;
	[smem:$0x3FB8] =	sst s0  }
0x18: {  	s0 =	sld [smem:$0x3F9B];
	_ =	swait.ge [sflag:s4], $0x0  }
0x19: {  	s7 =	sld [smem:$0x3F9C]  }
0x1a: {  	s8 =	sadd.s32 $0xFFFFE003, lr  }
0x1b: {  	s9 =	sadd.s32 $0xFFFFFEF7, lr;
	s5 =	simm.s32 $0xFFFFFFFF;
	p2 =	slt.u32 s8, $0xFFFFF086  }
0x1c: {  	p1 =	slt.u32 s9, $0xF7A;
	s5 =	simm.s32 @!p2 $0x0  }
0x1d: {  	s5 =	simm.s32 @p1 $0x1;
	p0 =	seq.s32 s7, s2  }
0x1e: {  	s7 =	smul.u32 @!p0 $0xF7A, s2;
	p2 =	seq.s32 @!p0 s5, $0x0  }
0x1f: {  	s9 =	smul.u32 $0xF7A, s1;
	s8 =	simm.s32 @!p0 $0x1BF5;
	p2 =	por !p2, p0  }
0x20: {  	[sflag:s8] =	ssyncset.s32 @!p0 $0xFFFFF086;
	s6 =	sadd.s32 @!p0 s3, s7;
	s7 =	simm.s32 @!p0 $0x108  }
0x21: {  	s3 =	sadd.s32 s3, s9;
	s6 =	sadd.s32 @!p0 $0x88, s6;
	s7 =	simm.s32 @p2 $0x1082  }
0x22: {  	[simem:s7], [sflag:s8] =	dma.local @!p0 [hbm:s6], $0xF7A  }
0x23: {  	s9 =	sor.u32 $0xD0000000, s2;
	s6 =	simm.s32 $0x108;
	_ =	swait.ge @!p0 [sflag:s8], $0x0  }
0x24: {  	s3 =	sadd.s32 $0x88, s3;
	s6 =	simm.s32 @!p1 $0x1082;
	[sflag:s4] =	ssyncset.s32 $0xFFFFF086  }
0x25: {  	[simem:s6], [sflag:s4] =	dma.local [hbm:s3], $0xF7A  }
0x26: {  	[smem:$0x3F9C] =	sst s1;
	(tag) =	ssettag s2;
	_ =	strace s9  }
0x27: {  	s1 =	sld [smem:$0x3FAC]  }
0x28: {  	s2 =	sld [smem:$0x3FAD]  }
0x29: {  	s4 =	sld [smem:$0x3FAF]  }
0x2a: {  	p0 =	seq.s32 s5, $0x0;
	s5 =	sld [smem:$0x3FB0]  }
0x2b: {  	s6 =	sld [smem:$0x3FB1]  }
0x2c: {  	s7 =	sld [smem:$0x3FB2]  }
0x2d: {  	s3 =	simm.s32 $0x108;
	s8 =	sld [smem:$0x3FB3]  }
0x2e: {  	s3 =	simm.s32 @!p0 $0x1082;
	s9 =	sld [smem:$0x3FB4]  }
0x2f: {  	lr =	sadd.s32 s0, s3;
	s0 =	sld [smem:$0x3FAB]  }
0x30: {  	s3 =	sld [smem:$0x3FAE]  }
0x31: {  	[smem:$0x3FB7] =	sst s10  }
0x32: {  	s10 =	sld [smem:$0x3FB5];
	_ =	sdelay $0x3  }
0x33: {  	p0 =	seq.s32 s10, $0x1;
	s10 =	sld [smem:$0x3FB7];
	_ =	sdelay $0x3  }
0x34: {  	[smem:$0x3FB7] =	sst s10  }
0x35: {  	s10 =	sld [smem:$0x3FB6];
	_ =	sdelay $0x3  }
0x36: {  	p1 =	seq.s32 s10, $0x1;
	s10 =	sld [smem:$0x3FB7];
	_ =	sdelay $0x3  }
0x37: {  	[smem:$0x3FB7] =	sst s10  }
0x38: {  	s10 =	sld [smem:$0x3FB8]  }
0x39: {  	_ = 	snop;
	(pc) =	sbr.ind lr, $3  }
0x3a: {  	_ = 	snop  }
0x3b: {  	_ = 	snop  }
0x3c: {  	p2 =	seq.s32 s10, $0x1;
	s10 =	sld [smem:$0x3FB7]  }
0x3d: {  	_ =	shalt  }
0x3e: {  	_ =	shalt  }
0x3f: {  	_ =	shalt  }
0x40: {  	_ =	shalt  }
0x41: {  	_ =	shalt  }
0x42: {  	_ =	shalt  }
0x43: {  	_ =	shalt  }
0x44: {  	_ =	shalt  }
0x45: {  	_ =	shalt  }
0x46: {  	_ =	shalt  }
0x47: {  	_ =	shalt  }
0x48: {  	_ =	shalt  }
0x49: {  	_ =	shalt  }
0x4a: {  	_ =	shalt  }
0x4b: {  	_ =	shalt  }
0x4c: {  	_ =	shalt  }
0x4d: {  	_ =	shalt  }
0x4e: {  	_ =	shalt  }
0x4f: {  	_ =	shalt  }
0x50: {  	_ =	shalt  }
0x51: {  	_ =	shalt  }
0x52: {  	_ =	shalt  }
0x53: {  	_ =	shalt  }
0x54: {  	_ =	shalt  }
0x55: {  	_ =	shalt  }
0x56: {  	_ =	shalt  }
0x57: {  	_ =	shalt  }
0x58: {  	_ =	shalt  }
0x59: {  	_ =	shalt  }
0x5a: {  	_ =	shalt  }
0x5b: {  	_ =	shalt  }
0x5c: {  	_ =	shalt  }
0x5d: {  	_ =	shalt  }
0x5e: {  	_ =	shalt  }
0x5f: {  	_ =	shalt  }
0x60: {  	_ =	shalt  }
0x61: {  	_ =	shalt  }
0x62: {  	_ =	shalt  }
0x63: {  	_ =	shalt  }
0x64: {  	_ =	shalt  }
0x65: {  	_ =	shalt  }
0x66: {  	_ =	shalt  }
0x67: {  	_ =	shalt  }
0x68: {  	_ =	shalt  }
0x69: {  	_ =	shalt  }
0x6a: {  	_ =	shalt  }
0x6b: {  	_ =	shalt  }
0x6c: {  	_ =	shalt  }
0x6d: {  	_ =	shalt  }
0x6e: {  	_ =	shalt  }
0x6f: {  	_ =	shalt  }
0x70: {  	_ =	shalt  }
0x71: {  	_ =	shalt  }
0x72: {  	_ =	shalt  }
0x73: {  	_ =	shalt  }
0x74: {  	_ =	shalt  }
0x75: {  	_ =	shalt  }
0x76: {  	_ =	shalt  }
0x77: {  	_ =	shalt  }
0x78: {  	_ =	shalt  }
0x79: {  	_ =	shalt  }
0x7a: {  	_ =	shalt  }
0x7b: {  	_ =	shalt  }
0x7c: {  	_ =	shalt  }
0x7d: {  	_ =	shalt  }
0x7e: {  	_ =	shalt  }
0x7f: {  	_ =	shalt  }
0x80: {  	_ =	shalt  }
0x81: {  	_ =	shalt  }
0x82: {  	_ =	shalt  }
0x83: {  	_ =	shalt  }
0x84: {  	_ =	shalt  }
0x85: {  	_ =	shalt  }
0x86: {  	_ =	shalt  }
0x87: {  	_ =	shalt  }
.Lfunc_end0:
.L_simem_size_0:
called_computation.2_lowered:
.L_overlay_start_0:
0x88: {  	s2 =	sld [smem:$0x3FD9]  }
0x89: {  	s3 =	sld [smem:$0x3FFE];
	_ =	sdelay $0x1  }
0x8a: {  	s1 =	srdreg.scid  }
0x8b: {  	s0 =	sand.u32 $0x1, s1  }
0x8c: {  	s17 =	sshll.u32 s0, $0xA;
	s2 =	sadd.s32 s3, s2  }
0x8d: {  	s2 =	sadd.s32 s2, s17  }
0x8e: {  	[smem:$0x3FC3] =	sst s2  }
0x8f: {  	_ = 	snop  }
0x90: {  	s2 =	sld [smem:$0x3FD0];
	(tm) =	ssettm $0x1  }
0x91: {  	s18 =	sld [smem:$0x3FFB];
	_ =	sdelay $0x3  }
0x92: {  	_ =	strace s18  }
0x93: {  	s3 =	sld [smem:$0x3FFC];
	_ =	sdelay $0x3  }
0x94: {  	_ =	strace s3  }
0x95: {  	s3 =	sld [smem:$0x3FFD];
	_ =	sdelay $0x3  }
0x96: {  	_ =	strace s3  }
0x97: {  	_ =	strace $0x8FFFFFFF  }
0x98: {  	s19 =	sld [smem:$0x3FDB];
	_ =	sdelay $0x1  }
0x99: {  	s4 =	simm.s32 $_scs_section_size  }
0x9a: {  	s5 =	simm.s32 $_size__tile_overlayer_lowered;
	s6 =	simm.s32 $_tile_overlayer_lowered  }
0x9b: {  	s22 =	simm.s32 $0x1BFF;
	s21 =	sshll.u32 s6, $0x1;
	s3 =	sadd.s32 s4, s19  }
0x9c: {  	s7 =	simm.s32 $0x0;
	s20 =	sshll.u32 s5, $0x1;
	s5 =	sadd.s32 s21, s3  }
0x9d: {  	[timem:s7], [sflag:s22] =	dma.local [hbm:s5], s20  }
0x9e: {  	_ =	swait.ge [sflag:s22], s20  }
0x9f: {  	s4 =	ssub.s32 $0x0, s20;
	[sflag:s22] =	ssyncset.done $0x0  }
0xa0: {  	[sflag:s22] =	ssyncadd.s32 s4;
	_ =	sdelay $0x1  }
0xa1: {  	s23 =	simm.s32 $0x1B8B  }
0xa2: {  	_ =	swait.ge [sflag:s23], $0x1  }
0xa3: {  	[sflag:s23] =	ssyncset.done $0x0  }
0xa4: {  	s25 =	simm.s32 $0x1B8E;
	s24 =	sld [smem:$0x3FFE];
	[sflag:s23] =	ssyncadd.s32 $0xFFFFFFFF  }
0xa5: {  	s26 =	simm.s32 $execute0_lowered;
	[smem:$0x3FD2] =	sst s25  }
0xa6: {  	s5 =	sshll.u32 s26, $0x1;
	_ =	strace $0x8000004C;
	[dreg:$0x1] =	wrdreg $0xFFFFFFFF  }
0xa7: {  	s28 =	simm.s32 $_size_execute0_lowered;
	s3 =	sadd.s32 s3, s5;
	[dreg:$0x0] =	wrdreg $0x0  }
0xa8: {  	s5 =	sshll.u32 s28, $0x1;
	[dreg:$0x2] =	wrdreg s3  }
0xa9: {  	[dreg:$0x3] =	wrdreg s5  }
0xaa: {  	[dreg:$0x4] =	wrdreg $0xC0  }
0xab: {  	_ =	task [dreg:s7], $0x5FFFF  }
0xac: {  	[dreg:$0x1] =	wrdreg $0xFFFFFFFF  }
0xad: {  	[dreg:$0x0] =	wrdreg $0x60  }
0xae: {  	[dreg:$0x2] =	wrdreg s24  }
0xaf: {  	[dreg:$0x3] =	wrdreg s2  }
0xb0: {  	[dreg:$0x4] =	wrdreg $0x8E800  }
0xb1: {  	[dreg:$0x5] =	wrdreg $0x9  }
0xb2: {  	_ =	task.clear_ibuf [dreg:s7], $0x6FFFF;
	_ =	strace $0x9000004C  }
0xb3: {  	s29 =	simm.s32 $0x9;
	_ =	strace $0x8000004E  }
0xb4: {  	_ =	swait.ge [sflag:s29], $0x1  }
0xb5: {  	[sflag:s29] =	ssyncadd.s32 $0xFFFFFFFF  }
0xb6: {  	_ =	strace $0x9000004E  }
0xb7: {  	_ =	sfence  }
0xb8: {  	s30 =	sld [smem:$0x0];
	_ =	sdelay $0x2  }
0xb9: {  	s31 =	sshll.u32 s1, $0xD;
	s1 =	sshrl.u32 s1, $0x2  }
0xba: {  	s3 =	sand.u32 $0x4000, s31;
	s1 =	sadd.s32 s1, s30  }
0xbb: {  	s0 =	sor.u32 s3, s0;
	s1 =	sshll.u32 s1, $0x11  }
0xbc: {  	s0 =	sor.u32 s1, s0  }
0xbd: {  	s0 =	sadd.s32 $0x8F2B, s0  }
0xbe: {  	[sflag:s0] =	ssyncadd.remote.s32 $0x1  }
0xbf: {  	_ =	sfence.sel $0xFFFF  }
0xc0: {  	[dreg:$0x0] =	wrdreg $0xFFFFFFFF;
	(pc) =	sbr.abs _section_cstart, $3  }
0xc1: {  	[dreg:$0x1] =	wrdreg $0xFFFFFFFF  }
0xc2: {  	_ =	task.clear_ibuf [dreg:s7], $0x2FFFF;
	_ =	strace $0x9FFFFFFF  }
0xc3: {  	(tm) =	ssettm $0x7FFFFFFF  }
tec
execute0_lowered:
.L_overlay_start_1:
0x0: {  	(tag) =	ssettag $0x1  }
0x1: {  	s0 =	srdreg.scid;
	s1 =	rddreg [dreg:$0x0]  }
0x2: {  	s10 =	stileid.u32;
	s2 =	rddreg [dreg:$0x1];
	s12 =	simm.s32 $0x5  }
0x3: {  	s14 =	simm.s32 $0x7D;
	s15 =	simm.s32 $0x5000;
	s16 =	simm.s32 $0x80  }
0x4: {  	s17 =	simm.s32 $0x5FA0;
	s18 =	simm.s32 $0x100;
	s19 =	simm.s32 $0x6F40  }
0x5: {  	s20 =	simm.s32 $0x180;
	s21 =	simm.s32 $0x7EE0;
	s22 =	simm.s32 $0x1  }
0x6: {  	s23 =	simm.s32 $0x2;
	s24 =	simm.s32 $0x3;
	s28 =	simm.s32 $0x4E80  }
0x7: {  	s29 =	simm.s32 $0x4F00;
	s30 =	simm.s32 $0x4F80;
	s31 =	simm.s32 $0x0  }
0x8: {  	s0 =	sand.u32 $0x1, s0;
	s6 =	smul.u32 $0x4E20, s10;
	s26 =	sshll.u32 s10, $0x6  }
0x9: {  	s3 =	sshll.u32 s0, $0x4;
	s7 =	smul.u32 $0x4E200, s0;
	s0 =	ssub.s32 $0x2, s0  }
0xa: {  	s4 =	sor.u32 s10, s3;
	s3 =	rddreg [dreg:$0x2];
	s25 =	sshrl.u32 s6, $0x3  }
0xb: {  	s9 =	sshrl.u32 s0, $0x1;
	s5 =	smul.u32 $0x500, s4;
	s4 =	simm.s32 $0x0  }
0xc: {  	s7 =	sadd.s32 s6, s7;
	s0 =	ssub.s32 s0, s9;
	s11 =	sadd.s32 s6, s3  }
0xd: {  	s6 =	sor.u32 $0x1C05, s26;
	s26 =	simm.s32 $0x4E00;
	[smem:$0x7FF] =	sst s4  }
0xe: {  	s7 =	sshrl.u32 s7, $0x3;
	s10 =	smax.u32 s0, $0x1;
	s11 =	sshrl.u32 s11, $0x3  }
0xf: {  	_ =	strace $0x8000004D;
	s8 =	sadd.s32 s5, s1;
	s5 =	sadd.s32 s25, s1  }
0x10: {  	s1 =	sadd.s32 s7, s1;
	s25 =	simm.s32 $0x4;
	s5 =	sadd.s32 $0x41A00, s5  }
0x11: {  	s7 =	sadd.s32 $0x10800, s8;
	s8 =	sadd.s32 $0x1600, s8;
	s9 =	sadd.s32 $0x4B800, s1  }
.LBB2_1:
0x12: {  	[spmem:s11], [sflag:s6] =	dma.local [hbm:s5], $0x9C4  }
0x13: {  	_ =	swait.ge [sflag:s12], $0x9C4  }
0x14: {  	[sflag:s12] =	ssyncset.done $0x0  }
0x15: {  	[sflag:s12] =	ssyncadd.s32 $0xFFFFF63C  }
0x16: {  	[tilespmem:s4], [sflag:$0x5] =	stream.linear.gather [hbm4b:s7+s4], $0x2800, $0x38;
	[tilespmem:$0xDCA0] =	vst v63  }
0x17: {  	_ =	swait.ge [sflag:s12], $0x2800  }
0x18: {  	[sflag:s12] =	ssyncset.done $0x0  }
0x19: {  	s0 =	simm.s32 $0x2800;
	[sflag:s12] =	ssyncadd.s32 $0xFFFFD800  }
0x1a: {  	[tilespmem:s0], [sflag:$0x5] =	stream.linear.gather [hbm4b:s8+s4], $0x2800, $0x38;
	[tilespmem:$0xDCA0] =	vst v63  }
0x1b: {  	_ =	swait.ge [sflag:s12], $0x2800  }
0x1c: {  	[sflag:s12] =	ssyncset.done $0x0  }
0x1d: {  	[sflag:s12] =	ssyncadd.s32 $0xFFFFD800  }
0x1e: {  	[bflag:$0x0] =	sbarrier.arrive $0xFFFF  }
0x1f: {  	[tilespmem:s15], [sflag:$0x1] =	stream.indirect.gather [hbm4b:s2+s14], $0x20, s4, s14, $0xb8;
	[tilespmem:$0xDCA0] =	vst v63  }
0x20: {  	_ = 	snop  }
0x21: {  	[tilespmem:s17], [sflag:$0x2] =	stream.indirect.gather [hbm4b:s2+s14], $0x20, s16, s14, $0xb8;
	[tilespmem:$0xDCA0] =	vst v63  }
0x22: {  	_ = 	snop  }
0x23: {  	[tilespmem:s19], [sflag:$0x3] =	stream.indirect.gather [hbm4b:s2+s14], $0x20, s18, s14, $0xb8;
	[tilespmem:$0xDCA0] =	vst v63  }
0x24: {  	_ = 	snop  }
0x25: {  	[tilespmem:s21], [sflag:$0x4] =	stream.indirect.gather [hbm4b:s2+s14], $0x20, s20, s14, $0xb8;
	[tilespmem:$0xDCA0] =	vst v63  }
0x26: {  	_ =	swait.ge [sflag:s22], $0xFA0  }
0x27: {  	[sflag:s22] =	ssyncset.done $0x0  }
0x28: {  	s13 =	simm.s32 $0x2800;
	[sflag:s22] =	ssyncadd.s32 $0xFFFFF060  }
0x29: {  	[spmem:s3] =	stream.indirect.scatter.add.f32 [tilespmem:s15], [sflag:$0x5], $0x20, s13, s14, $0xb8;
	[tilespmem:$0xDCA0] =	vst v63  }
0x2a: {  	_ =	swait.ge [sflag:s12], $0xFA0  }
0x2b: {  	[sflag:s12] =	ssyncset.done $0x0  }
0x2c: {  	s1 =	simm.s32 $0x200;
	[sflag:s12] =	ssyncadd.s32 $0xFFFFF060  }
0x2d: {  	[tilespmem:s15], [sflag:$0x1] =	stream.indirect.gather [hbm4b:s2+s14], $0x20, s1, s14, $0xb8;
	[tilespmem:$0xDCA0] =	vst v63  }
0x2e: {  	_ =	swait.ge [sflag:s23], $0xFA0  }
0x2f: {  	[sflag:s23] =	ssyncset.done $0x0  }
0x30: {  	s13 =	simm.s32 $0x2880;
	[sflag:s23] =	ssyncadd.s32 $0xFFFFF060  }
0x31: {  	[spmem:s3] =	stream.indirect.scatter.add.f32 [tilespmem:s17], [sflag:$0x5], $0x20, s13, s14, $0xb8;
	[tilespmem:$0xDCA0] =	vst v63  }
0x32: {  	_ =	swait.ge [sflag:s12], $0xFA0  }
0x33: {  	[sflag:s12] =	ssyncset.done $0x0  }
0x34: {  	s1 =	simm.s32 $0x280;
	[sflag:s12] =	ssyncadd.s32 $0xFFFFF060  }
0x35: {  	[tilespmem:s17], [sflag:$0x2] =	stream.indirect.gather [hbm4b:s2+s14], $0x20, s1, s14, $0xb8;
	[tilespmem:$0xDCA0] =	vst v63  }
0x36: {  	_ =	swait.ge [sflag:s24], $0xFA0  }
0x37: {  	[sflag:s24] =	ssyncset.done $0x0  }
0x38: {  	s13 =	simm.s32 $0x2900;
	[sflag:s24] =	ssyncadd.s32 $0xFFFFF060  }
0x39: {  	[spmem:s3] =	stream.indirect.scatter.add.f32 [tilespmem:s19], [sflag:$0x5], $0x20, s13, s14, $0xb8;
	[tilespmem:$0xDCA0] =	vst v63  }
0x3a: {  	_ =	swait.ge [sflag:s12], $0xFA0  }
0x3b: {  	[sflag:s12] =	ssyncset.done $0x0  }
0x3c: {  	s1 =	simm.s32 $0x300;
	[sflag:s12] =	ssyncadd.s32 $0xFFFFF060  }
0x3d: {  	[tilespmem:s19], [sflag:$0x3] =	stream.indirect.gather [hbm4b:s2+s14], $0x20, s1, s14, $0xb8;
	[tilespmem:$0xDCA0] =	vst v63  }
0x3e: {  	_ =	swait.ge [sflag:s25], $0xFA0  }
0x3f: {  	[sflag:s25] =	ssyncset.done $0x0  }
0x40: {  	s13 =	simm.s32 $0x2980;
	[sflag:s25] =	ssyncadd.s32 $0xFFFFF060  }
0x41: {  	[spmem:s3] =	stream.indirect.scatter.add.f32 [tilespmem:s21], [sflag:$0x5], $0x20, s13, s14, $0xb8;
	[tilespmem:$0xDCA0] =	vst v63  }
0x42: {  	_ =	swait.ge [sflag:s12], $0xFA0  }
0x43: {  	[sflag:s12] =	ssyncset.done $0x0  }
0x44: {  	s0 =	simm.s32 $0x380;
	s1 =	simm.s32 $0x800;
	[sflag:s12] =	ssyncadd.s32 $0xFFFFF060  }
.LBB2_2:
0x45: {  	[tilespmem:s21], [sflag:$0x4] =	stream.indirect.gather [hbm4b:s2+s14], $0x20, s0, s14, $0xb8;
	[tilespmem:$0xDCA0] =	vst v63  }
0x46: {  	s0 =	smov.u32 s1  }
0x47: {  	p0 =	sne.s32 s1, $0x9000;
	s1 =	sadd.s32 $0x800, s1;
	_ =	swait.ge [sflag:s22], $0xFA0  }
0x48: {  	s0 =	sshra.s32 s0, $0x2;
	[sflag:s22] =	ssyncset.done $0x0  }
0x49: {  	s13 =	sadd.s32 $0x2800, s0;
	[sflag:s22] =	ssyncadd.s32 $0xFFFFF060  }
0x4a: {  	[spmem:s3] =	stream.indirect.scatter.add.f32 [tilespmem:s15], [sflag:$0x5], $0x20, s13, s14, $0xb8;
	[tilespmem:$0xDCA0] =	vst v63  }
0x4b: {  	_ =	swait.ge [sflag:s12], $0xFA0  }
0x4c: {  	[sflag:s12] =	ssyncset.done $0x0  }
0x4d: {  	s13 =	sadd.s32 $0x200, s0;
	[sflag:s12] =	ssyncadd.s32 $0xFFFFF060  }
0x4e: {  	[tilespmem:s15], [sflag:$0x1] =	stream.indirect.gather [hbm4b:s2+s14], $0x20, s13, s14, $0xb8;
	[tilespmem:$0xDCA0] =	vst v63  }
0x4f: {  	_ =	swait.ge [sflag:s23], $0xFA0  }
0x50: {  	[sflag:s23] =	ssyncset.done $0x0  }
0x51: {  	s13 =	sadd.s32 $0x2880, s0;
	[sflag:s23] =	ssyncadd.s32 $0xFFFFF060  }
0x52: {  	[spmem:s3] =	stream.indirect.scatter.add.f32 [tilespmem:s17], [sflag:$0x5], $0x20, s13, s14, $0xb8;
	[tilespmem:$0xDCA0] =	vst v63  }
0x53: {  	_ =	swait.ge [sflag:s12], $0xFA0  }
0x54: {  	[sflag:s12] =	ssyncset.done $0x0  }
0x55: {  	s13 =	sadd.s32 $0x280, s0;
	[sflag:s12] =	ssyncadd.s32 $0xFFFFF060  }
0x56: {  	[tilespmem:s17], [sflag:$0x2] =	stream.indirect.gather [hbm4b:s2+s14], $0x20, s13, s14, $0xb8;
	[tilespmem:$0xDCA0] =	vst v63  }
0x57: {  	_ =	swait.ge [sflag:s24], $0xFA0  }
0x58: {  	[sflag:s24] =	ssyncset.done $0x0  }
0x59: {  	s13 =	sadd.s32 $0x2900, s0;
	[sflag:s24] =	ssyncadd.s32 $0xFFFFF060  }
0x5a: {  	[spmem:s3] =	stream.indirect.scatter.add.f32 [tilespmem:s19], [sflag:$0x5], $0x20, s13, s14, $0xb8;
	[tilespmem:$0xDCA0] =	vst v63  }
0x5b: {  	_ =	swait.ge [sflag:s12], $0xFA0  }
0x5c: {  	[sflag:s12] =	ssyncset.done $0x0  }
0x5d: {  	s13 =	sadd.s32 $0x300, s0;
	[sflag:s12] =	ssyncadd.s32 $0xFFFFF060  }
0x5e: {  	[tilespmem:s19], [sflag:$0x3] =	stream.indirect.gather [hbm4b:s2+s14], $0x20, s13, s14, $0xb8;
	[tilespmem:$0xDCA0] =	vst v63  }
0x5f: {  	_ =	swait.ge [sflag:s25], $0xFA0  }
0x60: {  	[sflag:s25] =	ssyncset.done $0x0  }
.Ltmp0:
0x61: {  	s13 =	sadd.s32 $0x2980, s0;
	[sflag:s25] =	ssyncadd.s32 $0xFFFFF060;
	(pc) =	sbr.rel @p0 .LBB2_2-.Ltmp0, $4  }
0x62: {  	[spmem:s3] =	stream.indirect.scatter.add.f32 [tilespmem:s21], [sflag:$0x5], $0x20, s13, s14, $0xb8;
	[tilespmem:$0xDCA0] =	vst v63  }
0x63: {  	_ =	swait.ge [sflag:s12], $0xFA0  }
0x64: {  	[sflag:s12] =	ssyncset.done $0x0  }
0x65: {  	s0 =	sadd.s32 $0x380, s0;
	[sflag:s12] =	ssyncadd.s32 $0xFFFFF060  }
0x66: {  	[tilespmem:s21], [sflag:$0x4] =	stream.indirect.gather [hbm4b:s2+s14], $0x20, s0, s14, $0xb8;
	[tilespmem:$0xDCA0] =	vst v63  }
0x67: {  	_ =	swait.ge [sflag:s22], $0xFA0  }
0x68: {  	[sflag:s22] =	ssyncset.done $0x0  }
0x69: {  	[sflag:s22] =	ssyncadd.s32 $0xFFFFF060  }
0x6a: {  	[spmem:s3] =	stream.indirect.scatter.add.f32 [tilespmem:s15], [sflag:$0x5], $0x20, s26, s14, $0xb8;
	[tilespmem:$0xDCA0] =	vst v63  }
0x6b: {  	_ =	swait.ge [sflag:s12], $0xFA0  }
0x6c: {  	[sflag:s12] =	ssyncset.done $0x0  }
0x6d: {  	[sflag:s12] =	ssyncadd.s32 $0xFFFFF060  }
0x6e: {  	_ =	swait.ge [sflag:s23], $0xFA0  }
0x6f: {  	[sflag:s23] =	ssyncset.done $0x0  }
0x70: {  	[sflag:s23] =	ssyncadd.s32 $0xFFFFF060  }
0x71: {  	[spmem:s3] =	stream.indirect.scatter.add.f32 [tilespmem:s17], [sflag:$0x5], $0x20, s28, s14, $0xb8;
	[tilespmem:$0xDCA0] =	vst v63  }
0x72: {  	_ =	swait.ge [sflag:s12], $0xFA0  }
0x73: {  	[sflag:s12] =	ssyncset.done $0x0  }
0x74: {  	[sflag:s12] =	ssyncadd.s32 $0xFFFFF060  }
0x75: {  	_ =	swait.ge [sflag:s24], $0xFA0  }
0x76: {  	[sflag:s24] =	ssyncset.done $0x0  }
0x77: {  	[sflag:s24] =	ssyncadd.s32 $0xFFFFF060  }
0x78: {  	[spmem:s3] =	stream.indirect.scatter.add.f32 [tilespmem:s19], [sflag:$0x5], $0x20, s29, s14, $0xb8;
	[tilespmem:$0xDCA0] =	vst v63  }
0x79: {  	_ =	swait.ge [sflag:s12], $0xFA0  }
0x7a: {  	[sflag:s12] =	ssyncset.done $0x0  }
0x7b: {  	[sflag:s12] =	ssyncadd.s32 $0xFFFFF060  }
0x7c: {  	_ =	swait.ge [sflag:s25], $0xFA0  }
0x7d: {  	[sflag:s25] =	ssyncset.done $0x0  }
0x7e: {  	[sflag:s25] =	ssyncadd.s32 $0xFFFFF060  }
0x7f: {  	[spmem:s3] =	stream.indirect.scatter.add.f32 [tilespmem:s21], [sflag:$0x5], $0x20, s30, s14, $0xb8;
	[tilespmem:$0xDCA0] =	vst v63  }
0x80: {  	_ =	swait.ge [sflag:s12], $0xFA0  }
0x81: {  	s31 =	sadd.s32 $0x1, s31;
	[sflag:s12] =	ssyncset.done $0x0  }
0x82: {  	p0 =	sne.s32 s31, s10;
	[sflag:s12] =	ssyncadd.s32 $0xFFFFF060  }
.Ltmp1:
0x83: {  	[bflag:$0x0] =	sbarrier.arrive $0xFFFF;
	(pc) =	sbr.rel @p0 .LBB2_1-.Ltmp1, $4  }
0x84: {  	[hbm:s9], [sflag:s6] =	dma.local [spmem:s11], $0x9C4  }
0x85: {  	_ =	swait.ge [sflag:s12], $0x9C4  }
0x86: {  	[sflag:s12] =	ssyncset.done $0x0  }
0x87: {  	[sflag:s12] =	ssyncadd.s32 $0xFFFFF63C  }
0x88: {  	_ =	sfence.sel $0x180000  }
0x89: {  	[bflag:$0x0] =	sbarrier.arrive $0xFFFF  }
0x8a: {  	_ =	strace $0x9000004D  }
0x8b: {  	s0 =	stileid.u32;
	[bflag:$0x2] =	sbarrier.arrive $0xFFFF  }
0x8c: {  	p0 =	sne.s32 s0, $0x0;
	s0 =	rddreg [dreg:$0x3]  }
0x8d: {  	s0 =	sadd.s32 @!p0 $0x100000, s0  }
0x8e: {  	[sflag:s0] =	ssyncadd.tile.s32 @!p0 $0x1;
	_ =	shalt  }
.Lfunc_end2:
_tile_overlayer_lowered:
.L_overlay_start_2:
0x8f: {  	(tag) =	ssettag $0x2  }
0x90: {  	s0 =	rddreg [dreg:$0x0];
	s2 =	stileid.u32  }
0x91: {  	s1 =	rddreg [dreg:$0x1];
	p0 =	sne.s32 s2, $0x0  }
0x92: {  	s3 =	rddreg [dreg:$0x2];
	[bflag:$0x3] =	sbarrier.arrive $0xFFFF;
	s2 =	simm.s32 @!p0 $0x1C05  }
0x93: {  	[timem:s3], [sflag:s2] =	dma.local @!p0 [hbm:s0], s1  }
0x94: {  	s0 =	simm.s32 @!p0 $0x5  }
0x95: {  	_ =	swait.ge @!p0 [sflag:s0], s1  }
0x96: {  	s1 =	ssub.s32 @!p0 $0x0, s1;
	[sflag:s0] =	ssyncset.done @!p0 $0x0  }
0x97: {  	[sflag:s0] =	ssyncadd.s32 @!p0 s1  }
0x98: {  	[bflag:$0x3] =	sbarrier.arrive $0xFFFF  }
0x99: {  	_ =	shalt  }

// kernel: kernel.9.cloned.1.call-start
scs
__scs_entry_jumppad:
0x0: {  	(pc) =	sbr.rel $0x88, $3  }
0x1: {  	(tag) =	ssettag $0x0;
	lr =	simm.s32 $0x1  }
0x2: {  	[smem:$0x3F9C] =	sst lr;
	_ =	strace $0xD0000000  }
0x3: {  	_ = 	snop  }
0x4: {  	_ = 	snop  }
0x5: {  	_ = 	snop  }
0x6: {  	_ = 	snop  }
0x7: {  	_ = 	snop  }
__scs_overlays_trampoline_lowered:
0x8: {  	[smem:$0x3FAB] =	sst s0  }
0x9: {  	[smem:$0x3FAC] =	sst s1  }
0xa: {  	[smem:$0x3FAD] =	sst s2  }
0xb: {  	[smem:$0x3FAE] =	sst s3  }
0xc: {  	[smem:$0x3FAF] =	sst s4  }
0xd: {  	[smem:$0x3FB0] =	sst s5  }
0xe: {  	[smem:$0x3FB1] =	sst s6  }
0xf: {  	[smem:$0x3FB2] =	sst s7  }
0x10: {  	[smem:$0x3FB3] =	sst s8  }
0x11: {  	[smem:$0x3FB4] =	sst s9;
	s0 =	simm.s32 @!p0 $0x0  }
0x12: {  	s1 =	sld [smem:$0x3F9A];
	s0 =	simm.s32 @p0 $0x1  }
0x13: {  	[smem:$0x3FB5] =	sst s0;
	s0 =	simm.s32 @!p1 $0x0  }
0x14: {  	s2 =	sld [smem:$0x3F99];
	s0 =	simm.s32 @p1 $0x1  }
0x15: {  	[smem:$0x3FB6] =	sst s0;
	s0 =	simm.s32 @!p2 $0x0  }
0x16: {  	s3 =	sld [smem:$0x3FDB];
	s0 =	simm.s32 @p2 $0x1  }
0x17: {  	s4 =	simm.s32 $0x1BF5;
	[smem:$0x3FB8] =	sst s0  }
0x18: {  	s0 =	sld [smem:$0x3F9B];
	_ =	swait.ge [sflag:s4], $0x0  }
0x19: {  	s7 =	sld [smem:$0x3F9C]  }
0x1a: {  	s8 =	sadd.s32 $0xFFFFE003, lr  }
0x1b: {  	s9 =	sadd.s32 $0xFFFFFEF7, lr;
	s5 =	simm.s32 $0xFFFFFFFF;
	p2 =	slt.u32 s8, $0xFFFFF086  }
0x1c: {  	p1 =	slt.u32 s9, $0xF7A;
	s5 =	simm.s32 @!p2 $0x0  }
0x1d: {  	s5 =	simm.s32 @p1 $0x1;
	p0 =	seq.s32 s7, s2  }
0x1e: {  	s7 =	smul.u32 @!p0 $0xF7A, s2;
	p2 =	seq.s32 @!p0 s5, $0x0  }
0x1f: {  	s9 =	smul.u32 $0xF7A, s1;
	s8 =	simm.s32 @!p0 $0x1BF5;
	p2 =	por !p2, p0  }
0x20: {  	[sflag:s8] =	ssyncset.s32 @!p0 $0xFFFFF086;
	s6 =	sadd.s32 @!p0 s3, s7;
	s7 =	simm.s32 @!p0 $0x108  }
0x21: {  	s3 =	sadd.s32 s3, s9;
	s6 =	sadd.s32 @!p0 $0x88, s6;
	s7 =	simm.s32 @p2 $0x1082  }
0x22: {  	[simem:s7], [sflag:s8] =	dma.local @!p0 [hbm:s6], $0xF7A  }
0x23: {  	s9 =	sor.u32 $0xD0000000, s2;
	s6 =	simm.s32 $0x108;
	_ =	swait.ge @!p0 [sflag:s8], $0x0  }
0x24: {  	s3 =	sadd.s32 $0x88, s3;
	s6 =	simm.s32 @!p1 $0x1082;
	[sflag:s4] =	ssyncset.s32 $0xFFFFF086  }
0x25: {  	[simem:s6], [sflag:s4] =	dma.local [hbm:s3], $0xF7A  }
0x26: {  	[smem:$0x3F9C] =	sst s1;
	(tag) =	ssettag s2;
	_ =	strace s9  }
0x27: {  	s1 =	sld [smem:$0x3FAC]  }
0x28: {  	s2 =	sld [smem:$0x3FAD]  }
0x29: {  	s4 =	sld [smem:$0x3FAF]  }
0x2a: {  	p0 =	seq.s32 s5, $0x0;
	s5 =	sld [smem:$0x3FB0]  }
0x2b: {  	s6 =	sld [smem:$0x3FB1]  }
0x2c: {  	s7 =	sld [smem:$0x3FB2]  }
0x2d: {  	s3 =	simm.s32 $0x108;
	s8 =	sld [smem:$0x3FB3]  }
0x2e: {  	s3 =	simm.s32 @!p0 $0x1082;
	s9 =	sld [smem:$0x3FB4]  }
0x2f: {  	lr =	sadd.s32 s0, s3;
	s0 =	sld [smem:$0x3FAB]  }
0x30: {  	s3 =	sld [smem:$0x3FAE]  }
0x31: {  	[smem:$0x3FB7] =	sst s10  }
0x32: {  	s10 =	sld [smem:$0x3FB5];
	_ =	sdelay $0x3  }
0x33: {  	p0 =	seq.s32 s10, $0x1;
	s10 =	sld [smem:$0x3FB7];
	_ =	sdelay $0x3  }
0x34: {  	[smem:$0x3FB7] =	sst s10  }
0x35: {  	s10 =	sld [smem:$0x3FB6];
	_ =	sdelay $0x3  }
0x36: {  	p1 =	seq.s32 s10, $0x1;
	s10 =	sld [smem:$0x3FB7];
	_ =	sdelay $0x3  }
0x37: {  	[smem:$0x3FB7] =	sst s10  }
0x38: {  	s10 =	sld [smem:$0x3FB8]  }
0x39: {  	_ = 	snop;
	(pc) =	sbr.ind lr, $3  }
0x3a: {  	_ = 	snop  }
0x3b: {  	_ = 	snop  }
0x3c: {  	p2 =	seq.s32 s10, $0x1;
	s10 =	sld [smem:$0x3FB7]  }
0x3d: {  	_ =	shalt  }
0x3e: {  	_ =	shalt  }
0x3f: {  	_ =	shalt  }
0x40: {  	_ =	shalt  }
0x41: {  	_ =	shalt  }
0x42: {  	_ =	shalt  }
0x43: {  	_ =	shalt  }
0x44: {  	_ =	shalt  }
0x45: {  	_ =	shalt  }
0x46: {  	_ =	shalt  }
0x47: {  	_ =	shalt  }
0x48: {  	_ =	shalt  }
0x49: {  	_ =	shalt  }
0x4a: {  	_ =	shalt  }
0x4b: {  	_ =	shalt  }
0x4c: {  	_ =	shalt  }
0x4d: {  	_ =	shalt  }
0x4e: {  	_ =	shalt  }
0x4f: {  	_ =	shalt  }
0x50: {  	_ =	shalt  }
0x51: {  	_ =	shalt  }
0x52: {  	_ =	shalt  }
0x53: {  	_ =	shalt  }
0x54: {  	_ =	shalt  }
0x55: {  	_ =	shalt  }
0x56: {  	_ =	shalt  }
0x57: {  	_ =	shalt  }
0x58: {  	_ =	shalt  }
0x59: {  	_ =	shalt  }
0x5a: {  	_ =	shalt  }
0x5b: {  	_ =	shalt  }
0x5c: {  	_ =	shalt  }
0x5d: {  	_ =	shalt  }
0x5e: {  	_ =	shalt  }
0x5f: {  	_ =	shalt  }
0x60: {  	_ =	shalt  }
0x61: {  	_ =	shalt  }
0x62: {  	_ =	shalt  }
0x63: {  	_ =	shalt  }
0x64: {  	_ =	shalt  }
0x65: {  	_ =	shalt  }
0x66: {  	_ =	shalt  }
0x67: {  	_ =	shalt  }
0x68: {  	_ =	shalt  }
0x69: {  	_ =	shalt  }
0x6a: {  	_ =	shalt  }
0x6b: {  	_ =	shalt  }
0x6c: {  	_ =	shalt  }
0x6d: {  	_ =	shalt  }
0x6e: {  	_ =	shalt  }
0x6f: {  	_ =	shalt  }
0x70: {  	_ =	shalt  }
0x71: {  	_ =	shalt  }
0x72: {  	_ =	shalt  }
0x73: {  	_ =	shalt  }
0x74: {  	_ =	shalt  }
0x75: {  	_ =	shalt  }
0x76: {  	_ =	shalt  }
0x77: {  	_ =	shalt  }
0x78: {  	_ =	shalt  }
0x79: {  	_ =	shalt  }
0x7a: {  	_ =	shalt  }
0x7b: {  	_ =	shalt  }
0x7c: {  	_ =	shalt  }
0x7d: {  	_ =	shalt  }
0x7e: {  	_ =	shalt  }
0x7f: {  	_ =	shalt  }
0x80: {  	_ =	shalt  }
0x81: {  	_ =	shalt  }
0x82: {  	_ =	shalt  }
0x83: {  	_ =	shalt  }
0x84: {  	_ =	shalt  }
0x85: {  	_ =	shalt  }
0x86: {  	_ =	shalt  }
0x87: {  	_ =	shalt  }
.Lfunc_end0:
.L_simem_size_0:
called_computation_lowered:
.L_overlay_start_0:
0x88: {  	s2 =	sld [smem:$0x3FD9]  }
0x89: {  	s3 =	sld [smem:$0x3FFE];
	_ =	sdelay $0x1  }
0x8a: {  	s1 =	srdreg.scid  }
0x8b: {  	s0 =	sand.u32 $0x1, s1  }
0x8c: {  	s17 =	sshll.u32 s0, $0xA;
	s2 =	sadd.s32 s3, s2  }
0x8d: {  	s2 =	sadd.s32 s2, s17  }
0x8e: {  	[smem:$0x3FC3] =	sst s2  }
0x8f: {  	_ = 	snop  }
0x90: {  	s2 =	sld [smem:$0x3FD0];
	(tm) =	ssettm $0x1  }
0x91: {  	s18 =	sld [smem:$0x3FFB];
	_ =	sdelay $0x3  }
0x92: {  	_ =	strace s18  }
0x93: {  	s3 =	sld [smem:$0x3FFC];
	_ =	sdelay $0x3  }
0x94: {  	_ =	strace s3  }
0x95: {  	s3 =	sld [smem:$0x3FFD];
	_ =	sdelay $0x3  }
0x96: {  	_ =	strace s3  }
0x97: {  	_ =	strace $0x8FFFFFFF  }
0x98: {  	s19 =	sld [smem:$0x3FDB];
	_ =	sdelay $0x1  }
0x99: {  	s4 =	simm.s32 $_scs_section_size  }
0x9a: {  	s5 =	simm.s32 $_size__tile_overlayer_lowered;
	s6 =	simm.s32 $_tile_overlayer_lowered  }
0x9b: {  	s22 =	simm.s32 $0x1BFF;
	s21 =	sshll.u32 s6, $0x1;
	s3 =	sadd.s32 s4, s19  }
0x9c: {  	s7 =	simm.s32 $0x0;
	s20 =	sshll.u32 s5, $0x1;
	s5 =	sadd.s32 s21, s3  }
0x9d: {  	[timem:s7], [sflag:s22] =	dma.local [hbm:s5], s20  }
0x9e: {  	_ =	swait.ge [sflag:s22], s20  }
0x9f: {  	s4 =	ssub.s32 $0x0, s20;
	[sflag:s22] =	ssyncset.done $0x0  }
0xa0: {  	[sflag:s22] =	ssyncadd.s32 s4;
	_ =	sdelay $0x1  }
0xa1: {  	s23 =	simm.s32 $0x1B8B  }
0xa2: {  	_ =	swait.ge [sflag:s23], $0x1  }
0xa3: {  	[sflag:s23] =	ssyncset.done $0x0  }
0xa4: {  	s25 =	simm.s32 $0x1B8E;
	s24 =	sld [smem:$0x3FFE];
	[sflag:s23] =	ssyncadd.s32 $0xFFFFFFFF  }
0xa5: {  	s26 =	simm.s32 $execute0_lowered;
	[smem:$0x3FD2] =	sst s25  }
0xa6: {  	s5 =	sshll.u32 s26, $0x1;
	_ =	strace $0x80000046;
	[dreg:$0x1] =	wrdreg $0xFFFFFFFF  }
0xa7: {  	s28 =	simm.s32 $_size_execute0_lowered;
	s3 =	sadd.s32 s3, s5;
	[dreg:$0x0] =	wrdreg $0x0  }
0xa8: {  	s5 =	sshll.u32 s28, $0x1;
	[dreg:$0x2] =	wrdreg s3  }
0xa9: {  	[dreg:$0x3] =	wrdreg s5  }
0xaa: {  	[dreg:$0x4] =	wrdreg $0xC0  }
0xab: {  	_ =	task [dreg:s7], $0x5FFFF  }
0xac: {  	[dreg:$0x1] =	wrdreg $0xFFFFFFFF  }
0xad: {  	[dreg:$0x0] =	wrdreg $0x60  }
0xae: {  	[dreg:$0x2] =	wrdreg s24  }
0xaf: {  	[dreg:$0x3] =	wrdreg s2  }
0xb0: {  	[dreg:$0x4] =	wrdreg $0x2BE80  }
0xb1: {  	[dreg:$0x5] =	wrdreg $0x9  }
0xb2: {  	_ =	task.clear_ibuf [dreg:s7], $0x6FFFF;
	_ =	strace $0x90000046  }
0xb3: {  	s29 =	simm.s32 $0x9;
	_ =	strace $0x80000048  }
0xb4: {  	_ =	swait.ge [sflag:s29], $0x1  }
0xb5: {  	[sflag:s29] =	ssyncadd.s32 $0xFFFFFFFF  }
0xb6: {  	_ =	strace $0x90000048  }
0xb7: {  	_ =	sfence  }
0xb8: {  	s30 =	sld [smem:$0x0];
	_ =	sdelay $0x2  }
0xb9: {  	s31 =	sshll.u32 s1, $0xD;
	s1 =	sshrl.u32 s1, $0x2  }
0xba: {  	s3 =	sand.u32 $0x4000, s31;
	s1 =	sadd.s32 s1, s30  }
0xbb: {  	s0 =	sor.u32 s3, s0;
	s1 =	sshll.u32 s1, $0x11  }
0xbc: {  	s0 =	sor.u32 s1, s0  }
0xbd: {  	s0 =	sadd.s32 $0x8F2B, s0  }
0xbe: {  	[sflag:s0] =	ssyncadd.remote.s32 $0x1  }
0xbf: {  	_ =	sfence.sel $0xFFFF  }
0xc0: {  	[dreg:$0x0] =	wrdreg $0xFFFFFFFF;
	(pc) =	sbr.abs _section_cstart, $3  }
0xc1: {  	[dreg:$0x1] =	wrdreg $0xFFFFFFFF  }
0xc2: {  	_ =	task.clear_ibuf [dreg:s7], $0x2FFFF;
	_ =	strace $0x9FFFFFFF  }
0xc3: {  	(tm) =	ssettm $0x7FFFFFFF  }
tec
execute0_lowered:
.L_overlay_start_1:
0x0: {  	(tag) =	ssettag $0x1  }
0x1: {  	s5 =	rddreg [dreg:$0x0]  }
0x2: {  	s0 =	srdreg.scid;
	s6 =	rddreg [dreg:$0x1]  }
0x3: {  	s2 =	rddreg [dreg:$0x2];
	s3 =	simm.s32 $0x0;
	s12 =	simm.s32 $0x2800  }
0x4: {  	s13 =	simm.s32 $0x7D;
	s4 =	sand.u32 $0x1, s0;
	s0 =	stileid.u32  }
0x5: {  	s14 =	simm.s32 $0x0;
	[smem:$0x7FF] =	sst s3;
	s8 =	smul.u32 $0x1388, s0  }
0x6: {  	s1 =	sshll.u32 s4, $0x4;
	s9 =	smul.u32 $0x13880, s4;
	s10 =	ssub.s32 $0x2, s4  }
0x7: {  	s4 =	sadd.s32 $0xB600, s5;
	s31 =	sshll.u32 s0, $0x6;
	s1 =	sor.u32 s0, s1  }
0x8: {  	s11 =	sshrl.u32 s10, $0x1;
	s7 =	smul.u32 $0x500, s1;
	s1 =	rddreg [dreg:$0x3]  }
0x9: {  	_ =	strace $0x80000047;
	s9 =	sadd.s32 s8, s9;
	s10 =	ssub.s32 s10, s11  }
0xa: {  	s29 =	sshrl.u32 s8, $0x3;
	s30 =	sadd.s32 s8, s2;
	s9 =	sshrl.u32 s9, $0x3  }
0xb: {  	s11 =	simm.s32 $0x1;
	s7 =	sadd.s32 s7, s5;
	s9 =	sadd.s32 s9, s5  }
0xc: {  	s5 =	sadd.s32 s6, s29;
	s6 =	sor.u32 $0x1C01, s31;
	s7 =	sadd.s32 $0x1600, s7  }
0xd: {  	s8 =	sadd.s32 $0xB800, s9;
	s9 =	smax.u32 s10, $0x1;
	s10 =	sshrl.u32 s30, $0x3  }
.LBB2_1:
0xe: {  	[spmem:s10], [sflag:s6] =	dma.local [hbm:s5], $0x271  }
0xf: {  	_ =	swait.ge [sflag:s11], $0x271  }
0x10: {  	[sflag:s11] =	ssyncset.done $0x0  }
0x11: {  	[sflag:s11] =	ssyncadd.s32 $0xFFFFFD8F  }
0x12: {  	[tilespmem:s3], [sflag:$0x1] =	stream.linear.gather [hbm4b:s7+s3], $0x2800, $0x38;
	[tilespmem:$0x3F70] =	vst v63  }
0x13: {  	_ =	swait.ge [sflag:s11], $0x2800  }
0x14: {  	[sflag:s11] =	ssyncset.done $0x0  }
0x15: {  	[sflag:s11] =	ssyncadd.s32 $0xFFFFD800  }
0x16: {  	[tilespmem:s12], [sflag:$0x1] =	stream.linear.gather [hbm4b:s4+s3], $0x3E8, $0x38;
	[tilespmem:$0x3F70] =	vst v63  }
0x17: {  	_ =	swait.ge [sflag:s11], $0x3E8  }
0x18: {  	[sflag:s11] =	ssyncset.done $0x0  }
0x19: {  	[sflag:s11] =	ssyncadd.s32 $0xFFFFFC18  }
0x1a: {  	s15 =	simm.s32 $0x0;
	[bflag:$0x0] =	sbarrier.arrive $0xFFFF  }
0x1b: {  	[spmem:s2] =	stream.indirect.scatter.add.f32 [tilespmem:s12], [sflag:$0x1], $0x8, s15, s13, $0xb8;
	[tilespmem:$0x3F70] =	vst v63  }
0x1c: {  	_ =	swait.ge [sflag:s11], $0x3E8  }
0x1d: {  	s15 =	simm.s32 $0x200;
	[sflag:s11] =	ssyncset.done $0x0  }
.LBB2_2:
0x1e: {  	s16 =	sshra.s32 s15, $0x2;
	[sflag:s11] =	ssyncadd.s32 $0xFFFFFC18;
	p0 =	sne.s32 s15, $0x9E00  }
0x1f: {  	[spmem:s2] =	stream.indirect.scatter.add.f32 [tilespmem:s12], [sflag:$0x1], $0x8, s16, s13, $0xb8;
	[tilespmem:$0x3F70] =	vst v63  }
.Ltmp0:
0x20: {  	_ = 	snop;
	(pc) =	sbr.rel @p0 .LBB2_2-.Ltmp0, $4  }
0x21: {  	_ = 	snop  }
0x22: {  	s15 =	sadd.s32 $0x200, s15  }
0x23: {  	_ =	swait.ge [sflag:s11], $0x3E8  }
0x24: {  	[sflag:s11] =	ssyncset.done $0x0  }
0x25: {  	s14 =	sadd.s32 $0x1, s14  }
0x26: {  	[sflag:s11] =	ssyncadd.s32 $0xFFFFFC18;
	p0 =	sne.s32 s14, s9  }
.Ltmp1:
0x27: {  	[bflag:$0x0] =	sbarrier.arrive $0xFFFF;
	(pc) =	sbr.rel @p0 .LBB2_1-.Ltmp1, $4  }
0x28: {  	[hbm:s8], [sflag:s6] =	dma.local [spmem:s10], $0x271  }
0x29: {  	_ =	swait.ge [sflag:s11], $0x271  }
0x2a: {  	[sflag:s11] =	ssyncset.done $0x0  }
0x2b: {  	[sflag:s11] =	ssyncadd.s32 $0xFFFFFD8F  }
0x2c: {  	_ =	sfence.sel $0x180000  }
0x2d: {  	[bflag:$0x0] =	sbarrier.arrive $0xFFFF  }
0x2e: {  	p0 =	sne.s32 s0, $0x0;
	_ =	strace $0x90000047  }
0x2f: {  	s0 =	sadd.s32 @!p0 $0x100000, s1;
	[bflag:$0x2] =	sbarrier.arrive $0xFFFF  }
0x30: {  	[sflag:s0] =	ssyncadd.tile.s32 @!p0 $0x1;
	_ =	shalt  }
.Lfunc_end2:
_tile_overlayer_lowered:
.L_overlay_start_2:
0x31: {  	(tag) =	ssettag $0x2  }
0x32: {  	s0 =	rddreg [dreg:$0x0];
	s2 =	stileid.u32  }
0x33: {  	s1 =	rddreg [dreg:$0x1];
	p0 =	sne.s32 s2, $0x0  }
0x34: {  	s3 =	rddreg [dreg:$0x2];
	[bflag:$0x3] =	sbarrier.arrive $0xFFFF;
	s2 =	simm.s32 @!p0 $0x1C01  }
0x35: {  	[timem:s3], [sflag:s2] =	dma.local @!p0 [hbm:s0], s1  }
0x36: {  	s0 =	simm.s32 @!p0 $0x1  }
0x37: {  	_ =	swait.ge @!p0 [sflag:s0], s1  }
0x38: {  	s1 =	ssub.s32 @!p0 $0x0, s1;
	[sflag:s0] =	ssyncset.done @!p0 $0x0  }
0x39: {  	[sflag:s0] =	ssyncadd.s32 @!p0 s1  }
0x3a: {  	[bflag:$0x3] =	sbarrier.arrive $0xFFFF  }
0x3b: {  	_ =	shalt  }

</sc_bundles>
